<compile_context>
chip_gen: v7x
topology: tpu7x:2x2x1
jax: 0.10.2.dev20260603
libtpu: 0.0.44.dev20260713+nightly
codegen_flags: <defaults>
</compile_context>

<pallas_src>
import functools

import jax
import jax.numpy as jnp
from jax import lax
from jax.experimental import pallas as pl
from jax.experimental.pallas import tpu as pltpu
from jax.experimental.pallas import tpu_sc as plsc

N = 10000
E = 320000
NL = 4
D = 128

NS = 16
NC = 2
CH = 64
EL = E + N
E_PAD = ((EL + NS * CH - 1) // (NS * CH)) * NS * CH
EB = E_PAD // NS
NCHUNK = EB // CH
NROWS = 10240
DUMP = 10000
STRIPE = NROWS // NS
ALPH_N = N + 16



def _proj_body(x_ref, w_ref, wf_ref, as_ref, ad_ref, h_ref, alph_ref):
    x = x_ref[...]
    h_ref[0] = jnp.dot(x, w_ref[0], preferred_element_type=jnp.float32)

    @pl.when(pl.program_id(0) == 0)
    def _():
        wf = wf_ref[...]
        cols = []
        for l in range(NL):
            wl = wf[l]
            cols.append(jnp.dot(wl, as_ref[l][:, None],
                                preferred_element_type=jnp.float32))
            cols.append(jnp.dot(wl, ad_ref[l][:, None],
                                preferred_element_type=jnp.float32))
        v8 = jnp.concatenate(cols, axis=1)
        a8t = lax.dot_general(v8, x, (((0,), (1,)), ((), ())),
                              preferred_element_type=jnp.float32)
        alph_ref[...] = jnp.concatenate(
            [a8t, jnp.zeros((2 * NL, ALPH_N - N), jnp.float32)], axis=1)


def _project(x, Wg, a_srcg, a_dstg):
    return pl.pallas_call(
        _proj_body,
        grid=(NL,),
        in_specs=[
            pl.BlockSpec((N, D), lambda l: (0, 0)),
            pl.BlockSpec((1, D, D), lambda l: (l, 0, 0)),
            pl.BlockSpec((NL, D, D), lambda l: (0, 0, 0)),
            pl.BlockSpec((NL, D), lambda l: (0, 0)),
            pl.BlockSpec((NL, D), lambda l: (0, 0)),
        ],
        out_specs=[
            pl.BlockSpec((1, N, D), lambda l: (l, 0, 0)),
            pl.BlockSpec((2 * NL, ALPH_N), lambda l: (0, 0)),
        ],
        out_shape=[
            jax.ShapeDtypeStruct((NL, N, D), jnp.float32),
            jax.ShapeDtypeStruct((2 * NL, ALPH_N), jnp.float32),
        ],
    )(x, Wg, Wg, a_srcg, a_dstg)



def _sc_body(h_hbm, alph_hbm, src_hbm, dst_hbm, bg_hbm, out_hbm,
             num_sh, den_sh, as_v, ad_v, src_v, dst_v, rows_v,
             wtmp_v, bias_v, sem):
    c = lax.axis_index("c")
    s = lax.axis_index("s")

    for ll in range(2):
        l = c * 2 + ll

        pltpu.sync_copy(alph_hbm.at[pl.ds((2 * l) * ALPH_N, ALPH_N)], as_v)
        pltpu.sync_copy(alph_hbm.at[pl.ds((2 * l + 1) * ALPH_N, ALPH_N)], ad_v)
        pltpu.sync_copy(bg_hbm.at[pl.ds(l * D, D)], bias_v)

        def _zrow(j, _):
            for fb in range(8):
                rows_v[j, pl.ds(fb * 16, 16)] = jnp.zeros((16,), jnp.float32)
            return 0
        lax.fori_loop(0, CH, _zrow, 0)
        for q in range(CH // 16):
            wtmp_v[pl.ds(q * 16, 16)] = jnp.zeros((16,), jnp.float32)

        def _zcp(k, _):
            r0 = pl.multiple_of(s * STRIPE + k * CH, CH)
            pltpu.sync_copy(rows_v, num_sh.at[pl.ds(r0, CH)])
            pltpu.sync_copy(wtmp_v, den_sh.at[pl.ds(r0, CH)])
            return 0
        lax.fori_loop(0, STRIPE // CH, _zcp, 0)
        plsc.subcore_barrier()

        ebase = l * E_PAD + s * EB

        def _chunk(g, _):
            base = ebase + g * CH
            pltpu.sync_copy(src_hbm.at[pl.ds(base, CH)], src_v)
            pltpu.sync_copy(dst_hbm.at[pl.ds(base, CH)], dst_v)
            pltpu.async_copy(h_hbm.at[src_v], rows_v, sem).wait()

            loff = l * N

            def _wgrp(gg, _):
                s16 = src_v[pl.ds(gg * 16, 16)] - loff
                d16 = dst_v[pl.ds(gg * 16, 16)]
                av = plsc.load_gather(as_v, [s16])
                bv = plsc.load_gather(ad_v, [d16])
                e = av + bv
                e = jnp.where(e >= 0.0, e, 0.2 * e)
                wtmp_v[pl.ds(gg * 16, 16)] = jnp.exp(e)
                return 0
            lax.fori_loop(0, CH // 16, _wgrp, 0)

            def _edge(j, _):
                wj = plsc.load_gather(wtmp_v, [jnp.full((16,), j, jnp.int32)])
                for fb in range(8):
                    rows_v[j, pl.ds(fb * 16, 16)] = (
                        rows_v[j, pl.ds(fb * 16, 16)] * wj)
                return 0
            lax.fori_loop(0, CH, _edge, 0)

            pltpu.sync_copy(rows_v, num_sh.at[dst_v], add=True)
            pltpu.sync_copy(wtmp_v, den_sh.at[dst_v], add=True)
            return 0
        lax.fori_loop(0, NCHUNK, _chunk, 0)
        plsc.subcore_barrier()

        def _outcp(k, _):
            r0 = pl.multiple_of(s * STRIPE + k * CH, CH)
            pltpu.sync_copy(num_sh.at[pl.ds(r0, CH)], rows_v)
            pltpu.sync_copy(den_sh.at[pl.ds(r0, CH)], wtmp_v)

            def _norm(j, _):
                dj = plsc.load_gather(wtmp_v, [jnp.full((16,), j, jnp.int32)])
                r = 1.0 / (dj + 1e-16)
                for fb in range(8):
                    rows_v[j, pl.ds(fb * 16, 16)] = (
                        rows_v[j, pl.ds(fb * 16, 16)] * r
                        + bias_v[pl.ds(fb * 16, 16)])
                return 0
            lax.fori_loop(0, CH, _norm, 0)
            pltpu.sync_copy(rows_v, out_hbm.at[pl.ds(l * NROWS + r0, CH)])
            return 0
        lax.fori_loop(0, STRIPE // CH, _outcp, 0)
        plsc.subcore_barrier()


def _aggregate(h_flat, alph, src_flat, dst_flat, bg_flat):
    mesh = plsc.VectorSubcoreMesh(core_axis_name="c", subcore_axis_name="s",
                                  num_cores=NC, num_subcores=NS)
    f = pl.kernel(
        _sc_body,
        out_type=jax.ShapeDtypeStruct((NL * NROWS, D), jnp.float32),
        mesh=mesh,
        compiler_params=pltpu.CompilerParams(needs_layout_passes=False),
        scratch_types=[
            pltpu.VMEM_SHARED((NROWS, D), jnp.float32),
            pltpu.VMEM_SHARED((NROWS,), jnp.float32),
            pltpu.VMEM((ALPH_N,), jnp.float32),
            pltpu.VMEM((ALPH_N,), jnp.float32),
            pltpu.VMEM((CH,), jnp.int32),
            pltpu.VMEM((CH,), jnp.int32),
            pltpu.VMEM((CH, D), jnp.float32),
            pltpu.VMEM((CH,), jnp.float32),
            pltpu.VMEM((D,), jnp.float32),
            pltpu.SemaphoreType.DMA,
        ],
    )
    return f(h_flat, alph, src_flat, dst_flat, bg_flat)



BR = 2000

def _mlp_body(x_ref, g_ref, w1_ref, b1_ref, w2_ref, b2_ref, o_ref):
    y = jnp.dot(x_ref[...], w1_ref[0:D, :], preferred_element_type=jnp.float32)
    g = g_ref[...]
    for l in range(NL):
        y = y + jnp.dot(g[l], w1_ref[D * (l + 1):D * (l + 2), :],
                        preferred_element_type=jnp.float32)
    hmid = jnp.tanh(y + b1_ref[...])
    o_ref[...] = jnp.dot(hmid, w2_ref[...],
                         preferred_element_type=jnp.float32) + b2_ref[...]


def _mlp(x, gat, W1, b1, W2, b2):
    return pl.pallas_call(
        _mlp_body,
        grid=(N // BR,),
        in_specs=[
            pl.BlockSpec((BR, D), lambda r: (r, 0)),
            pl.BlockSpec((NL, BR, D), lambda r: (0, r, 0)),
            pl.BlockSpec(((NL + 1) * D, D), lambda r: (0, 0)),
            pl.BlockSpec((1, D), lambda r: (0, 0)),
            pl.BlockSpec((D, D), lambda r: (0, 0)),
            pl.BlockSpec((1, D), lambda r: (0, 0)),
        ],
        out_specs=pl.BlockSpec((BR, D), lambda r: (r, 0)),
        out_shape=jax.ShapeDtypeStruct((N, D), jnp.float32),
    )(x, gat, W1, b1, W2, b2)



def kernel(x, edges, Wg, a_srcg, a_dstg, bg, W1, b1, W2, b2):
    h, alph = _project(x, Wg, a_srcg, a_dstg)
    h_flat = h.reshape(NL * N, D)

    loop = jnp.arange(N, dtype=jnp.int32)
    pad = E_PAD - EL
    srcs = jnp.concatenate(
        [edges[:, 0, :], jnp.broadcast_to(loop, (NL, N)),
         jnp.zeros((NL, pad), jnp.int32)], axis=1)
    srcs = srcs + (jnp.arange(NL, dtype=jnp.int32) * N)[:, None]
    dsts = jnp.concatenate(
        [edges[:, 1, :], jnp.broadcast_to(loop, (NL, N)),
         jnp.full((NL, pad), DUMP, jnp.int32)], axis=1)

    gat = _aggregate(h_flat, alph.reshape(-1), srcs.reshape(-1), dsts.reshape(-1),
                     bg.reshape(-1)).reshape(NL, NROWS, D)[:, :N]

    return _mlp(x, gat, W1, jnp.reshape(b1, (1, D)), W2,
                jnp.reshape(b2, (1, D)))

# --- scband reference (transcript-rebuilt; emitter-appended) ---
"""Pipeline reference for scband-sdrlayer-23038204575877 (READ-ONLY COPY).

The authoritative reference and input builder live on the scoring server;
editing this copy changes nothing except your own understanding.
"""

import jax, jax.numpy as jnp
import numpy as np

N_NODES = 10000
N_EDGES = 320000
N_LISTS = 4
IN_DIM = 128
OUT_DIM = 128


def setup_inputs(seed: int = 0) -> dict:
    key = jax.random.key(seed)
    ks = jax.random.split(key, 12)
    x = jax.random.normal(ks[0], (N_NODES, IN_DIM), dtype=jnp.float32)
    edges = jax.random.randint(ks[1], (N_LISTS, 2, N_EDGES), 0, N_NODES, dtype=jnp.int32)
    s_in = 1.0 / np.sqrt(IN_DIM)
    s_out = 1.0 / np.sqrt(OUT_DIM)
    Wg = jax.random.normal(ks[2], (N_LISTS, IN_DIM, OUT_DIM), dtype=jnp.float32) * s_in
    a_srcg = jax.random.normal(ks[3], (N_LISTS, OUT_DIM), dtype=jnp.float32) * s_out
    a_dstg = jax.random.normal(ks[4], (N_LISTS, OUT_DIM), dtype=jnp.float32) * s_out
    bg = jnp.zeros((N_LISTS, OUT_DIM), dtype=jnp.float32)
    mlp_in = IN_DIM * (N_LISTS + 1)
    W1 = jax.random.normal(ks[5], (mlp_in, OUT_DIM), dtype=jnp.float32) * (1.0 / np.sqrt(mlp_in))
    b1 = jnp.full((OUT_DIM,), 0.01, dtype=jnp.float32)
    W2 = jax.random.normal(ks[6], (OUT_DIM, OUT_DIM), dtype=jnp.float32) * s_out
    b2 = jnp.full((OUT_DIM,), 0.01, dtype=jnp.float32)
    return {"x": x, "edges": edges, "Wg": Wg, "a_srcg": a_srcg, "a_dstg": a_dstg,
            "bg": bg, "W1": W1, "b1": b1, "W2": W2, "b2": b2}


def _gat(x, edge_index, W, a_s, a_d, b):
    n = x.shape[0]
    h = x @ W
    src = edge_index[0]
    dst = edge_index[1]
    loop = jnp.arange(n, dtype=src.dtype)  # GATConv default add_self_loops=True
    src = jnp.concatenate([src, loop])
    dst = jnp.concatenate([dst, loop])
    alpha_s = h @ a_s
    alpha_d = h @ a_d
    e = jax.nn.leaky_relu(alpha_s[src] + alpha_d[dst], negative_slope=0.2)
    # segment softmax over incoming edges of each dst node (max-shift for stability;
    # stop_gradient on the shift is exact for softmax gradients)
    emax = jax.lax.stop_gradient(jax.ops.segment_max(e, dst, num_segments=n))
    ex = jnp.exp(e - emax[dst])
    denom = jax.ops.segment_sum(ex, dst, num_segments=n)
    alpha = ex / (denom[dst] + 1e-16)
    out = jax.ops.segment_sum(alpha[:, None] * h[src], dst, num_segments=n)
    return out + b


def reference(x, edges, Wg, a_srcg, a_dstg, bg, W1, b1, W2, b2):
    feats = [x]
    for i in range(N_LISTS):
        feats.append(_gat(x, edges[i], Wg[i], a_srcg[i], a_dstg[i], bg[i]))
    combined = jnp.concatenate(feats, axis=1)
    h = jnp.tanh(combined @ W1 + b1)
    return h @ W2 + b2

if __name__ == "__main__":
    import jax
    _d = setup_inputs()
    print(jax.jit(kernel)(*tuple(_d.values())))

</pallas_src>

<mosaic_0001>
#map = affine_map<(d0, d1) -> (0, 0)>
#map1 = affine_map<(d0, d1) -> (0)>
module attributes {stable_mosaic.version = 14 : i64} {
  func.func @_sc_body(%arg0: i32, %arg1: i32, %arg2: memref<40000x128xf32, #tpu.memory_space<hbm>>, %arg3: memref<80128xf32, #tpu.memory_space<hbm>>, %arg4: memref<1323008xi32, #tpu.memory_space<hbm>>, %arg5: memref<1323008xi32, #tpu.memory_space<hbm>>, %arg6: memref<512xf32, #tpu.memory_space<hbm>>, %arg7: memref<40960x128xf32, #tpu.memory_space<hbm>>, %arg8: memref<10240x128xf32, #tpu.memory_space<vmem_shared>>, %arg9: memref<10240xf32, #tpu.memory_space<vmem_shared>>, %arg10: memref<10016xf32, #tpu.memory_space<vmem>>, %arg11: memref<10016xf32, #tpu.memory_space<vmem>>, %arg12: memref<64xi32, #tpu.memory_space<vmem>>, %arg13: memref<64xi32, #tpu.memory_space<vmem>>, %arg14: memref<64x128xf32, #tpu.memory_space<vmem>>, %arg15: memref<64xf32, #tpu.memory_space<vmem>>, %arg16: memref<128xf32, #tpu.memory_space<vmem>>, %arg17: memref<!tpu.dma_semaphore, #tpu.memory_space<semaphore_mem>>) attributes {dimension_semantics = [#tpu.dimension_semantics<core_parallel>, #tpu.dimension_semantics<subcore_parallel>], iteration_bounds = array<i64: 2, 16>, scalar_prefetch = 0 : i64, scratch_operands = 10 : i64, tpu.core_type = #tpu.core_type<sc_vector_subcore>, window_params = [{transform_indices = #map}, {transform_indices = #map1}, {transform_indices = #map1}, {transform_indices = #map1}, {transform_indices = #map1}, {transform_indices = #map}]} {
    %mul3A = arith.constant 2 : i32
    %mul3A_0 = arith.muli %arg0, %mul3A : i32
    %add3A = arith.constant 0 : i32
    %add3A_1 = arith.addi %mul3A_0, %add3A : i32
    %mul3A_2 = arith.constant 2 : i32
    %mul3A_3 = arith.muli %mul3A_2, %add3A_1 : i32
    %mul3A_4 = arith.constant 10016 : i32
    %mul3A_5 = arith.muli %mul3A_3, %mul3A_4 : i32
    "tpu.region"() ({
      %run_scoped3A = tpu.sem_alloc : memref<!tpu.dma_semaphore, #tpu.memory_space<semaphore_mem>>
      %dma_start3A = tpu.memref_slice %arg3[%mul3A_5] : memref<80128xf32, #tpu.memory_space<hbm>> -> memref<10016xf32, #tpu.memory_space<hbm>>
      %dma_start3A_130 = tpu.memref_slice %arg3[%mul3A_5] : memref<80128xf32, #tpu.memory_space<hbm>> -> memref<10016xf32, #tpu.memory_space<hbm>>
      tpu.enqueue_dma source(%dma_start3A_130 : memref<10016xf32, #tpu.memory_space<hbm>>) target(%arg10 : memref<10016xf32, #tpu.memory_space<vmem>>) target_semaphore(%run_scoped3A : memref<!tpu.dma_semaphore, #tpu.memory_space<semaphore_mem>>)
      %dma_wait3A = tpu.memref_slice %arg3[%mul3A_5] : memref<80128xf32, #tpu.memory_space<hbm>> -> memref<10016xf32, #tpu.memory_space<hbm>>
      %dma_wait3A_131 = tpu.memref_slice %arg3[%mul3A_5] : memref<80128xf32, #tpu.memory_space<hbm>> -> memref<10016xf32, #tpu.memory_space<hbm>>
      tpu.wait_dma2 semaphore(%run_scoped3A : memref<!tpu.dma_semaphore, #tpu.memory_space<semaphore_mem>>) src(%dma_wait3A_131 : memref<10016xf32, #tpu.memory_space<hbm>>) dst(%arg10 : memref<10016xf32, #tpu.memory_space<vmem>>)
      tpu.yield
    }) : () -> ()
    %mul3A_6 = arith.constant 2 : i32
    %mul3A_7 = arith.muli %mul3A_6, %add3A_1 : i32
    %add3A_8 = arith.constant 1 : i32
    %add3A_9 = arith.addi %mul3A_7, %add3A_8 : i32
    %mul3A_10 = arith.constant 10016 : i32
    %mul3A_11 = arith.muli %add3A_9, %mul3A_10 : i32
    "tpu.region"() ({
      %run_scoped3A = tpu.sem_alloc : memref<!tpu.dma_semaphore, #tpu.memory_space<semaphore_mem>>
      %dma_start3A = tpu.memref_slice %arg3[%mul3A_11] : memref<80128xf32, #tpu.memory_space<hbm>> -> memref<10016xf32, #tpu.memory_space<hbm>>
      %dma_start3A_130 = tpu.memref_slice %arg3[%mul3A_11] : memref<80128xf32, #tpu.memory_space<hbm>> -> memref<10016xf32, #tpu.memory_space<hbm>>
      tpu.enqueue_dma source(%dma_start3A_130 : memref<10016xf32, #tpu.memory_space<hbm>>) target(%arg11 : memref<10016xf32, #tpu.memory_space<vmem>>) target_semaphore(%run_scoped3A : memref<!tpu.dma_semaphore, #tpu.memory_space<semaphore_mem>>)
      %dma_wait3A = tpu.memref_slice %arg3[%mul3A_11] : memref<80128xf32, #tpu.memory_space<hbm>> -> memref<10016xf32, #tpu.memory_space<hbm>>
      %dma_wait3A_131 = tpu.memref_slice %arg3[%mul3A_11] : memref<80128xf32, #tpu.memory_space<hbm>> -> memref<10016xf32, #tpu.memory_space<hbm>>
      tpu.wait_dma2 semaphore(%run_scoped3A : memref<!tpu.dma_semaphore, #tpu.memory_space<semaphore_mem>>) src(%dma_wait3A_131 : memref<10016xf32, #tpu.memory_space<hbm>>) dst(%arg11 : memref<10016xf32, #tpu.memory_space<vmem>>)
      tpu.yield
    }) : () -> ()
    %mul3A_12 = arith.constant 128 : i32
    %mul3A_13 = arith.muli %add3A_1, %mul3A_12 : i32
    "tpu.region"() ({
      %run_scoped3A = tpu.sem_alloc : memref<!tpu.dma_semaphore, #tpu.memory_space<semaphore_mem>>
      %dma_start3A = tpu.memref_slice %arg6[%mul3A_13] : memref<512xf32, #tpu.memory_space<hbm>> -> memref<128xf32, #tpu.memory_space<hbm>>
      %dma_start3A_130 = tpu.memref_slice %arg6[%mul3A_13] : memref<512xf32, #tpu.memory_space<hbm>> -> memref<128xf32, #tpu.memory_space<hbm>>
      tpu.enqueue_dma source(%dma_start3A_130 : memref<128xf32, #tpu.memory_space<hbm>>) target(%arg16 : memref<128xf32, #tpu.memory_space<vmem>>) target_semaphore(%run_scoped3A : memref<!tpu.dma_semaphore, #tpu.memory_space<semaphore_mem>>)
      %dma_wait3A = tpu.memref_slice %arg6[%mul3A_13] : memref<512xf32, #tpu.memory_space<hbm>> -> memref<128xf32, #tpu.memory_space<hbm>>
      %dma_wait3A_131 = tpu.memref_slice %arg6[%mul3A_13] : memref<512xf32, #tpu.memory_space<hbm>> -> memref<128xf32, #tpu.memory_space<hbm>>
      tpu.wait_dma2 semaphore(%run_scoped3A : memref<!tpu.dma_semaphore, #tpu.memory_space<semaphore_mem>>) src(%dma_wait3A_131 : memref<128xf32, #tpu.memory_space<hbm>>) dst(%arg16 : memref<128xf32, #tpu.memory_space<vmem>>)
      tpu.yield
    }) : () -> ()
    %scan3A = arith.constant 0 : i32
    %scan3A_14 = arith.constant 0 : i32
    %scan3A_15 = arith.constant 64 : i32
    %scan3A_16 = arith.addi %scan3A_14, %scan3A_15 : i32
    %scan3A_17 = arith.constant 1 : i32
    %scan3A_18 = scf.for %scan3A_130 = %scan3A_14 to %scan3A_16 step %scan3A_17 iter_args(%scan3A_131 = %scan3A) -> (i32)  : i32 {
      %broadcast_in_dim3A_132 = arith.constant 0.000000e+00 : f32
      %broadcast_in_dim3A_133 = vector.broadcast %broadcast_in_dim3A_132 : f32 to vector<16xf32>
      %swap3A_134 = arith.index_cast %scan3A_130 : i32 to index
      %swap3A_135 = arith.constant 0 : index
      %swap3A_136 = tpu.vector_load %arg14[%swap3A_134, %swap3A_135] {strides = array<i32>} : memref<64x128xf32, #tpu.memory_space<vmem>>, vector<16xf32>,
      tpu.vector_store %arg14[%swap3A_134, %swap3A_135], %broadcast_in_dim3A_133 {strides = array<i32>} : memref<64x128xf32, #tpu.memory_space<vmem>>, vector<16xf32>,
      %broadcast_in_dim3A_137 = arith.constant 0.000000e+00 : f32
      %broadcast_in_dim3A_138 = vector.broadcast %broadcast_in_dim3A_137 : f32 to vector<16xf32>
      %swap3A_139 = arith.index_cast %scan3A_130 : i32 to index
      %swap3A_140 = arith.constant 16 : index
      %swap3A_141 = tpu.vector_load %arg14[%swap3A_139, %swap3A_140] {strides = array<i32>} : memref<64x128xf32, #tpu.memory_space<vmem>>, vector<16xf32>,
      tpu.vector_store %arg14[%swap3A_139, %swap3A_140], %broadcast_in_dim3A_138 {strides = array<i32>} : memref<64x128xf32, #tpu.memory_space<vmem>>, vector<16xf32>,
      %broadcast_in_dim3A_142 = arith.constant 0.000000e+00 : f32
      %broadcast_in_dim3A_143 = vector.broadcast %broadcast_in_dim3A_142 : f32 to vector<16xf32>
      %swap3A_144 = arith.index_cast %scan3A_130 : i32 to index
      %swap3A_145 = arith.constant 32 : index
      %swap3A_146 = tpu.vector_load %arg14[%swap3A_144, %swap3A_145] {strides = array<i32>} : memref<64x128xf32, #tpu.memory_space<vmem>>, vector<16xf32>,
      tpu.vector_store %arg14[%swap3A_144, %swap3A_145], %broadcast_in_dim3A_143 {strides = array<i32>} : memref<64x128xf32, #tpu.memory_space<vmem>>, vector<16xf32>,
      %broadcast_in_dim3A_147 = arith.constant 0.000000e+00 : f32
      %broadcast_in_dim3A_148 = vector.broadcast %broadcast_in_dim3A_147 : f32 to vector<16xf32>
      %swap3A_149 = arith.index_cast %scan3A_130 : i32 to index
      %swap3A_150 = arith.constant 48 : index
      %swap3A_151 = tpu.vector_load %arg14[%swap3A_149, %swap3A_150] {strides = array<i32>} : memref<64x128xf32, #tpu.memory_space<vmem>>, vector<16xf32>,
      tpu.vector_store %arg14[%swap3A_149, %swap3A_150], %broadcast_in_dim3A_148 {strides = array<i32>} : memref<64x128xf32, #tpu.memory_space<vmem>>, vector<16xf32>,
      %broadcast_in_dim3A_152 = arith.constant 0.000000e+00 : f32
      %broadcast_in_dim3A_153 = vector.broadcast %broadcast_in_dim3A_152 : f32 to vector<16xf32>
      %swap3A_154 = arith.index_cast %scan3A_130 : i32 to index
      %swap3A_155 = arith.constant 64 : index
      %swap3A_156 = tpu.vector_load %arg14[%swap3A_154, %swap3A_155] {strides = array<i32>} : memref<64x128xf32, #tpu.memory_space<vmem>>, vector<16xf32>,
      tpu.vector_store %arg14[%swap3A_154, %swap3A_155], %broadcast_in_dim3A_153 {strides = array<i32>} : memref<64x128xf32, #tpu.memory_space<vmem>>, vector<16xf32>,
      %broadcast_in_dim3A_157 = arith.constant 0.000000e+00 : f32
      %broadcast_in_dim3A_158 = vector.broadcast %broadcast_in_dim3A_157 : f32 to vector<16xf32>
      %swap3A_159 = arith.index_cast %scan3A_130 : i32 to index
      %swap3A_160 = arith.constant 80 : index
      %swap3A_161 = tpu.vector_load %arg14[%swap3A_159, %swap3A_160] {strides = array<i32>} : memref<64x128xf32, #tpu.memory_space<vmem>>, vector<16xf32>,
      tpu.vector_store %arg14[%swap3A_159, %swap3A_160], %broadcast_in_dim3A_158 {strides = array<i32>} : memref<64x128xf32, #tpu.memory_space<vmem>>, vector<16xf32>,
      %broadcast_in_dim3A_162 = arith.constant 0.000000e+00 : f32
      %broadcast_in_dim3A_163 = vector.broadcast %broadcast_in_dim3A_162 : f32 to vector<16xf32>
      %swap3A_164 = arith.index_cast %scan3A_130 : i32 to index
      %swap3A_165 = arith.constant 96 : index
      %swap3A_166 = tpu.vector_load %arg14[%swap3A_164, %swap3A_165] {strides = array<i32>} : memref<64x128xf32, #tpu.memory_space<vmem>>, vector<16xf32>,
      tpu.vector_store %arg14[%swap3A_164, %swap3A_165], %broadcast_in_dim3A_163 {strides = array<i32>} : memref<64x128xf32, #tpu.memory_space<vmem>>, vector<16xf32>,
      %broadcast_in_dim3A_167 = arith.constant 0.000000e+00 : f32
      %broadcast_in_dim3A_168 = vector.broadcast %broadcast_in_dim3A_167 : f32 to vector<16xf32>
      %swap3A_169 = arith.index_cast %scan3A_130 : i32 to index
      %swap3A_170 = arith.constant 112 : index
      %swap3A_171 = tpu.vector_load %arg14[%swap3A_169, %swap3A_170] {strides = array<i32>} : memref<64x128xf32, #tpu.memory_space<vmem>>, vector<16xf32>,
      tpu.vector_store %arg14[%swap3A_169, %swap3A_170], %broadcast_in_dim3A_168 {strides = array<i32>} : memref<64x128xf32, #tpu.memory_space<vmem>>, vector<16xf32>,
      %scan3A_172 = arith.constant 0 : i32
      scf.yield %scan3A_172 : i32
    }
    %scan3A_19 = arith.constant 64 : i32
    %broadcast_in_dim3A = arith.constant 0.000000e+00 : f32
    %broadcast_in_dim3A_20 = vector.broadcast %broadcast_in_dim3A : f32 to vector<16xf32>
    %swap3A = arith.constant 0 : index
    %swap3A_21 = tpu.vector_load %arg15[%swap3A] {strides = array<i32>} : memref<64xf32, #tpu.memory_space<vmem>>, vector<16xf32>,
    tpu.vector_store %arg15[%swap3A], %broadcast_in_dim3A_20 {strides = array<i32>} : memref<64xf32, #tpu.memory_space<vmem>>, vector<16xf32>,
    %broadcast_in_dim3A_22 = arith.constant 0.000000e+00 : f32
    %broadcast_in_dim3A_23 = vector.broadcast %broadcast_in_dim3A_22 : f32 to vector<16xf32>
    %swap3A_24 = arith.constant 16 : index
    %swap3A_25 = tpu.vector_load %arg15[%swap3A_24] {strides = array<i32>} : memref<64xf32, #tpu.memory_space<vmem>>, vector<16xf32>,
    tpu.vector_store %arg15[%swap3A_24], %broadcast_in_dim3A_23 {strides = array<i32>} : memref<64xf32, #tpu.memory_space<vmem>>, vector<16xf32>,
    %broadcast_in_dim3A_26 = arith.constant 0.000000e+00 : f32
    %broadcast_in_dim3A_27 = vector.broadcast %broadcast_in_dim3A_26 : f32 to vector<16xf32>
    %swap3A_28 = arith.constant 32 : index
    %swap3A_29 = tpu.vector_load %arg15[%swap3A_28] {strides = array<i32>} : memref<64xf32, #tpu.memory_space<vmem>>, vector<16xf32>,
    tpu.vector_store %arg15[%swap3A_28], %broadcast_in_dim3A_27 {strides = array<i32>} : memref<64xf32, #tpu.memory_space<vmem>>, vector<16xf32>,
    %broadcast_in_dim3A_30 = arith.constant 0.000000e+00 : f32
    %broadcast_in_dim3A_31 = vector.broadcast %broadcast_in_dim3A_30 : f32 to vector<16xf32>
    %swap3A_32 = arith.constant 48 : index
    %swap3A_33 = tpu.vector_load %arg15[%swap3A_32] {strides = array<i32>} : memref<64xf32, #tpu.memory_space<vmem>>, vector<16xf32>,
    tpu.vector_store %arg15[%swap3A_32], %broadcast_in_dim3A_31 {strides = array<i32>} : memref<64xf32, #tpu.memory_space<vmem>>, vector<16xf32>,
    %scan3A_34 = arith.constant 0 : i32
    %scan3A_35 = arith.constant 0 : i32
    %scan3A_36 = arith.constant 10 : i32
    %scan3A_37 = arith.addi %scan3A_35, %scan3A_36 : i32
    %scan3A_38 = arith.constant 1 : i32
    %scan3A_39 = scf.for %scan3A_130 = %scan3A_35 to %scan3A_37 step %scan3A_38 iter_args(%scan3A_131 = %scan3A_34) -> (i32)  : i32 {
      %mul3A_132 = arith.constant 640 : i32
      %mul3A_133 = arith.muli %arg1, %mul3A_132 : i32
      %mul3A_134 = arith.constant 64 : i32
      %mul3A_135 = arith.muli %scan3A_130, %mul3A_134 : i32
      %add3A_136 = arith.addi %mul3A_133, %mul3A_135 : i32
      %multiple_of3A = tpu.assume_multiple %add3A_136, 64 : i32
      "tpu.region"() ({
        %run_scoped3A = tpu.sem_alloc : memref<!tpu.dma_semaphore, #tpu.memory_space<semaphore_mem>>
        %dma_start3A = arith.constant 0 : i32
        %dma_start3A_138 = tpu.memref_slice %arg8[%multiple_of3A, %dma_start3A] : memref<10240x128xf32, #tpu.memory_space<vmem_shared>> -> memref<64x128xf32, #tpu.memory_space<vmem_shared>>
        %dma_start3A_139 = arith.constant 0 : i32
        %dma_start3A_140 = tpu.memref_slice %arg8[%multiple_of3A, %dma_start3A_139] : memref<10240x128xf32, #tpu.memory_space<vmem_shared>> -> memref<64x128xf32, #tpu.memory_space<vmem_shared>>
        tpu.enqueue_dma source(%arg14 : memref<64x128xf32, #tpu.memory_space<vmem>>) target(%dma_start3A_140 : memref<64x128xf32, #tpu.memory_space<vmem_shared>>) target_semaphore(%run_scoped3A : memref<!tpu.dma_semaphore, #tpu.memory_space<semaphore_mem>>)
        %dma_wait3A = arith.constant 0 : i32
        %dma_wait3A_141 = tpu.memref_slice %arg8[%multiple_of3A, %dma_wait3A] : memref<10240x128xf32, #tpu.memory_space<vmem_shared>> -> memref<64x128xf32, #tpu.memory_space<vmem_shared>>
        %dma_wait3A_142 = arith.constant 0 : i32
        %dma_wait3A_143 = tpu.memref_slice %arg8[%multiple_of3A, %dma_wait3A_142] : memref<10240x128xf32, #tpu.memory_space<vmem_shared>> -> memref<64x128xf32, #tpu.memory_space<vmem_shared>>
        tpu.wait_dma2 semaphore(%run_scoped3A : memref<!tpu.dma_semaphore, #tpu.memory_space<semaphore_mem>>) src(%arg14 : memref<64x128xf32, #tpu.memory_space<vmem>>) dst(%dma_wait3A_143 : memref<64x128xf32, #tpu.memory_space<vmem_shared>>)
        tpu.yield
      }) : () -> ()
      "tpu.region"() ({
        %run_scoped3A = tpu.sem_alloc : memref<!tpu.dma_semaphore, #tpu.memory_space<semaphore_mem>>
        %dma_start3A = tpu.memref_slice %arg9[%multiple_of3A] : memref<10240xf32, #tpu.memory_space<vmem_shared>> -> memref<64xf32, #tpu.memory_space<vmem_shared>>
        %dma_start3A_138 = tpu.memref_slice %arg9[%multiple_of3A] : memref<10240xf32, #tpu.memory_space<vmem_shared>> -> memref<64xf32, #tpu.memory_space<vmem_shared>>
        tpu.enqueue_dma source(%arg15 : memref<64xf32, #tpu.memory_space<vmem>>) target(%dma_start3A_138 : memref<64xf32, #tpu.memory_space<vmem_shared>>) target_semaphore(%run_scoped3A : memref<!tpu.dma_semaphore, #tpu.memory_space<semaphore_mem>>)
        %dma_wait3A = tpu.memref_slice %arg9[%multiple_of3A] : memref<10240xf32, #tpu.memory_space<vmem_shared>> -> memref<64xf32, #tpu.memory_space<vmem_shared>>
        %dma_wait3A_139 = tpu.memref_slice %arg9[%multiple_of3A] : memref<10240xf32, #tpu.memory_space<vmem_shared>> -> memref<64xf32, #tpu.memory_space<vmem_shared>>
        tpu.wait_dma2 semaphore(%run_scoped3A : memref<!tpu.dma_semaphore, #tpu.memory_space<semaphore_mem>>) src(%arg15 : memref<64xf32, #tpu.memory_space<vmem>>) dst(%dma_wait3A_139 : memref<64xf32, #tpu.memory_space<vmem_shared>>)
        tpu.yield
      }) : () -> ()
      %scan3A_137 = arith.constant 0 : i32
      scf.yield %scan3A_137 : i32
    }
    %scan3A_40 = arith.constant 10 : i32
    %barrier3A = arith.constant 0 : index
    tpu.barrier barrier_id(%barrier3A)
    %mul3A_41 = arith.constant 330752 : i32
    %mul3A_42 = arith.muli %add3A_1, %mul3A_41 : i32
    %mul3A_43 = arith.constant 20672 : i32
    %mul3A_44 = arith.muli %arg1, %mul3A_43 : i32
    %add3A_45 = arith.addi %mul3A_42, %mul3A_44 : i32
    %scan3A_46 = arith.constant 0 : i32
    %scan3A_47 = arith.constant 0 : i32
    %scan3A_48 = arith.constant 323 : i32
    %scan3A_49 = arith.addi %scan3A_47, %scan3A_48 : i32
    %scan3A_50 = arith.constant 1 : i32
    %scan3A_51 = scf.for %scan3A_130 = %scan3A_47 to %scan3A_49 step %scan3A_50 iter_args(%scan3A_131 = %scan3A_46) -> (i32)  : i32 {
      %mul3A_132 = arith.constant 64 : i32
      %mul3A_133 = arith.muli %scan3A_130, %mul3A_132 : i32
      %add3A_134 = arith.addi %add3A_45, %mul3A_133 : i32
      "tpu.region"() ({
        %run_scoped3A = tpu.sem_alloc : memref<!tpu.dma_semaphore, #tpu.memory_space<semaphore_mem>>
        %dma_start3A_156 = tpu.memref_slice %arg4[%add3A_134] : memref<1323008xi32, #tpu.memory_space<hbm>> -> memref<64xi32, #tpu.memory_space<hbm>>
        %dma_start3A_157 = tpu.memref_slice %arg4[%add3A_134] : memref<1323008xi32, #tpu.memory_space<hbm>> -> memref<64xi32, #tpu.memory_space<hbm>>
        tpu.enqueue_dma source(%dma_start3A_157 : memref<64xi32, #tpu.memory_space<hbm>>) target(%arg12 : memref<64xi32, #tpu.memory_space<vmem>>) target_semaphore(%run_scoped3A : memref<!tpu.dma_semaphore, #tpu.memory_space<semaphore_mem>>)
        %dma_wait3A_158 = tpu.memref_slice %arg4[%add3A_134] : memref<1323008xi32, #tpu.memory_space<hbm>> -> memref<64xi32, #tpu.memory_space<hbm>>
        %dma_wait3A_159 = tpu.memref_slice %arg4[%add3A_134] : memref<1323008xi32, #tpu.memory_space<hbm>> -> memref<64xi32, #tpu.memory_space<hbm>>
        tpu.wait_dma2 semaphore(%run_scoped3A : memref<!tpu.dma_semaphore, #tpu.memory_space<semaphore_mem>>) src(%dma_wait3A_159 : memref<64xi32, #tpu.memory_space<hbm>>) dst(%arg12 : memref<64xi32, #tpu.memory_space<vmem>>)
        tpu.yield
      }) : () -> ()
      "tpu.region"() ({
        %run_scoped3A = tpu.sem_alloc : memref<!tpu.dma_semaphore, #tpu.memory_space<semaphore_mem>>
        %dma_start3A_156 = tpu.memref_slice %arg5[%add3A_134] : memref<1323008xi32, #tpu.memory_space<hbm>> -> memref<64xi32, #tpu.memory_space<hbm>>
        %dma_start3A_157 = tpu.memref_slice %arg5[%add3A_134] : memref<1323008xi32, #tpu.memory_space<hbm>> -> memref<64xi32, #tpu.memory_space<hbm>>
        tpu.enqueue_dma source(%dma_start3A_157 : memref<64xi32, #tpu.memory_space<hbm>>) target(%arg13 : memref<64xi32, #tpu.memory_space<vmem>>) target_semaphore(%run_scoped3A : memref<!tpu.dma_semaphore, #tpu.memory_space<semaphore_mem>>)
        %dma_wait3A_158 = tpu.memref_slice %arg5[%add3A_134] : memref<1323008xi32, #tpu.memory_space<hbm>> -> memref<64xi32, #tpu.memory_space<hbm>>
        %dma_wait3A_159 = tpu.memref_slice %arg5[%add3A_134] : memref<1323008xi32, #tpu.memory_space<hbm>> -> memref<64xi32, #tpu.memory_space<hbm>>
        tpu.wait_dma2 semaphore(%run_scoped3A : memref<!tpu.dma_semaphore, #tpu.memory_space<semaphore_mem>>) src(%dma_wait3A_159 : memref<64xi32, #tpu.memory_space<hbm>>) dst(%arg13 : memref<64xi32, #tpu.memory_space<vmem>>)
        tpu.yield
      }) : () -> ()
      %dma_start3A = arith.constant 0 : i32
      %dma_start3A_135 = arith.constant 0 : i32
      %dma_start3A_136 = tpu.memref_slice %arg2[%dma_start3A, %dma_start3A_135] : memref<40000x128xf32, #tpu.memory_space<hbm>> -> memref<40000x128xf32, #tpu.memory_space<hbm>>
      tpu.enqueue_indirect_dma source(%dma_start3A_136 : memref<40000x128xf32, #tpu.memory_space<hbm>>) target(%arg14 : memref<64x128xf32, #tpu.memory_space<vmem>>) offsets(%arg12 : memref<64xi32, #tpu.memory_space<vmem>>) semaphore(%arg17 : memref<!tpu.dma_semaphore, #tpu.memory_space<semaphore_mem>>)
      %dma_wait3A = arith.constant 0 : i32
      %dma_wait3A_137 = arith.constant 0 : i32
      %dma_wait3A_138 = tpu.memref_slice %arg2[%dma_wait3A, %dma_wait3A_137] : memref<40000x128xf32, #tpu.memory_space<hbm>> -> memref<40000x128xf32, #tpu.memory_space<hbm>>
      tpu.wait_indirect_dma semaphore(%arg17 : memref<!tpu.dma_semaphore, #tpu.memory_space<semaphore_mem>>) src(%dma_wait3A_138 : memref<40000x128xf32, #tpu.memory_space<hbm>>) dst(%arg14 : memref<64x128xf32, #tpu.memory_space<vmem>>)
      %mul3A_139 = arith.constant 10000 : i32
      %mul3A_140 = arith.muli %add3A_1, %mul3A_139 : i32
      %scan3A_141 = arith.constant 0 : i32
      %scan3A_142 = arith.constant 0 : i32
      %scan3A_143 = arith.constant 4 : i32
      %scan3A_144 = arith.addi %scan3A_142, %scan3A_143 : i32
      %scan3A_145 = arith.constant 1 : i32
      %scan3A_146 = scf.for %scan3A_156 = %scan3A_142 to %scan3A_144 step %scan3A_145 iter_args(%scan3A_157 = %scan3A_141) -> (i32)  : i32 {
        %mul3A_158 = arith.constant 16 : i32
        %mul3A_159 = arith.muli %scan3A_156, %mul3A_158 : i32
        %get3A = arith.index_cast %mul3A_159 : i32 to index
        %get3A_160 = tpu.vector_load %arg12[%get3A] {strides = array<i32>} : memref<64xi32, #tpu.memory_space<vmem>>, vector<16xi32>,
        %sub3A = vector.broadcast %mul3A_140 : i32 to vector<16xi32>
        %sub3A_161 = arith.subi %get3A_160, %sub3A : vector<16xi32>
        %mul3A_162 = arith.constant 16 : i32
        %mul3A_163 = arith.muli %scan3A_156, %mul3A_162 : i32
        %get3A_164 = arith.index_cast %mul3A_163 : i32 to index
        %get3A_165 = tpu.vector_load %arg13[%get3A_164] {strides = array<i32>} : memref<64xi32, #tpu.memory_space<vmem>>, vector<16xi32>,
        %gather3A = tpu.vector_load_idx %arg10[%sub3A_161] : memref<10016xf32, #tpu.memory_space<vmem>>[vector<16xi32>], vector<16xf32>,
        %gather3A_166 = tpu.vector_load_idx %arg11[%get3A_165] : memref<10016xf32, #tpu.memory_space<vmem>>[vector<16xi32>], vector<16xf32>,
        %add3A_167 = arith.addf %gather3A, %gather3A_166 : vector<16xf32>
        %ge3A = arith.constant 0.000000e+00 : f32
        %ge3A_168 = vector.broadcast %ge3A : f32 to vector<16xf32>
        %ge3A_169 = arith.cmpf oge, %add3A_167, %ge3A_168 : vector<16xf32>
        %mul3A_170 = arith.constant 2.000000e-01 : f32
        %mul3A_171 = vector.broadcast %mul3A_170 : f32 to vector<16xf32>
        %mul3A_172 = arith.mulf %mul3A_171, %add3A_167 : vector<16xf32>
        %select_n3A = arith.select %ge3A_169, %add3A_167, %mul3A_172 : vector<16xi1>, vector<16xf32>
        %exp3A = math.exp %select_n3A : vector<16xf32>
        %mul3A_173 = arith.constant 16 : i32
        %mul3A_174 = arith.muli %scan3A_156, %mul3A_173 : i32
        %swap3A_175 = arith.index_cast %mul3A_174 : i32 to index
        %swap3A_176 = tpu.vector_load %arg15[%swap3A_175] {strides = array<i32>} : memref<64xf32, #tpu.memory_space<vmem>>, vector<16xf32>,
        tpu.vector_store %arg15[%swap3A_175], %exp3A {strides = array<i32>} : memref<64xf32, #tpu.memory_space<vmem>>, vector<16xf32>,
        %scan3A_177 = arith.constant 0 : i32
        scf.yield %scan3A_177 : i32
      }
      %scan3A_147 = arith.constant 4 : i32
      %scan3A_148 = arith.constant 0 : i32
      %scan3A_149 = arith.constant 0 : i32
      %scan3A_150 = arith.constant 64 : i32
      %scan3A_151 = arith.addi %scan3A_149, %scan3A_150 : i32
      %scan3A_152 = arith.constant 1 : i32
      %scan3A_153 = scf.for %scan3A_156 = %scan3A_149 to %scan3A_151 step %scan3A_152 iter_args(%scan3A_157 = %scan3A_148) -> (i32)  : i32 {
        %broadcast_in_dim3A_158 = vector.broadcast %scan3A_156 : i32 to vector<16xi32>
        %gather3A = tpu.vector_load_idx %arg15[%broadcast_in_dim3A_158] : memref<64xf32, #tpu.memory_space<vmem>>[vector<16xi32>], vector<16xf32>,
        %get3A = arith.index_cast %scan3A_156 : i32 to index
        %get3A_159 = arith.constant 0 : index
        %get3A_160 = tpu.vector_load %arg14[%get3A, %get3A_159] {strides = array<i32>} : memref<64x128xf32, #tpu.memory_space<vmem>>, vector<16xf32>,
        %mul3A_161 = arith.mulf %get3A_160, %gather3A : vector<16xf32>
        %swap3A_162 = arith.index_cast %scan3A_156 : i32 to index
        %swap3A_163 = arith.constant 0 : index
        %swap3A_164 = tpu.vector_load %arg14[%swap3A_162, %swap3A_163] {strides = array<i32>} : memref<64x128xf32, #tpu.memory_space<vmem>>, vector<16xf32>,
        tpu.vector_store %arg14[%swap3A_162, %swap3A_163], %mul3A_161 {strides = array<i32>} : memref<64x128xf32, #tpu.memory_space<vmem>>, vector<16xf32>,
        %get3A_165 = arith.index_cast %scan3A_156 : i32 to index
        %get3A_166 = arith.constant 16 : index
        %get3A_167 = tpu.vector_load %arg14[%get3A_165, %get3A_166] {strides = array<i32>} : memref<64x128xf32, #tpu.memory_space<vmem>>, vector<16xf32>,
        %mul3A_168 = arith.mulf %get3A_167, %gather3A : vector<16xf32>
        %swap3A_169 = arith.index_cast %scan3A_156 : i32 to index
        %swap3A_170 = arith.constant 16 : index
        %swap3A_171 = tpu.vector_load %arg14[%swap3A_169, %swap3A_170] {strides = array<i32>} : memref<64x128xf32, #tpu.memory_space<vmem>>, vector<16xf32>,
        tpu.vector_store %arg14[%swap3A_169, %swap3A_170], %mul3A_168 {strides = array<i32>} : memref<64x128xf32, #tpu.memory_space<vmem>>, vector<16xf32>,
        %get3A_172 = arith.index_cast %scan3A_156 : i32 to index
        %get3A_173 = arith.constant 32 : index
        %get3A_174 = tpu.vector_load %arg14[%get3A_172, %get3A_173] {strides = array<i32>} : memref<64x128xf32, #tpu.memory_space<vmem>>, vector<16xf32>,
        %mul3A_175 = arith.mulf %get3A_174, %gather3A : vector<16xf32>
        %swap3A_176 = arith.index_cast %scan3A_156 : i32 to index
        %swap3A_177 = arith.constant 32 : index
        %swap3A_178 = tpu.vector_load %arg14[%swap3A_176, %swap3A_177] {strides = array<i32>} : memref<64x128xf32, #tpu.memory_space<vmem>>, vector<16xf32>,
        tpu.vector_store %arg14[%swap3A_176, %swap3A_177], %mul3A_175 {strides = array<i32>} : memref<64x128xf32, #tpu.memory_space<vmem>>, vector<16xf32>,
        %get3A_179 = arith.index_cast %scan3A_156 : i32 to index
        %get3A_180 = arith.constant 48 : index
        %get3A_181 = tpu.vector_load %arg14[%get3A_179, %get3A_180] {strides = array<i32>} : memref<64x128xf32, #tpu.memory_space<vmem>>, vector<16xf32>,
        %mul3A_182 = arith.mulf %get3A_181, %gather3A : vector<16xf32>
        %swap3A_183 = arith.index_cast %scan3A_156 : i32 to index
        %swap3A_184 = arith.constant 48 : index
        %swap3A_185 = tpu.vector_load %arg14[%swap3A_183, %swap3A_184] {strides = array<i32>} : memref<64x128xf32, #tpu.memory_space<vmem>>, vector<16xf32>,
        tpu.vector_store %arg14[%swap3A_183, %swap3A_184], %mul3A_182 {strides = array<i32>} : memref<64x128xf32, #tpu.memory_space<vmem>>, vector<16xf32>,
        %get3A_186 = arith.index_cast %scan3A_156 : i32 to index
        %get3A_187 = arith.constant 64 : index
        %get3A_188 = tpu.vector_load %arg14[%get3A_186, %get3A_187] {strides = array<i32>} : memref<64x128xf32, #tpu.memory_space<vmem>>, vector<16xf32>,
        %mul3A_189 = arith.mulf %get3A_188, %gather3A : vector<16xf32>
        %swap3A_190 = arith.index_cast %scan3A_156 : i32 to index
        %swap3A_191 = arith.constant 64 : index
        %swap3A_192 = tpu.vector_load %arg14[%swap3A_190, %swap3A_191] {strides = array<i32>} : memref<64x128xf32, #tpu.memory_space<vmem>>, vector<16xf32>,
        tpu.vector_store %arg14[%swap3A_190, %swap3A_191], %mul3A_189 {strides = array<i32>} : memref<64x128xf32, #tpu.memory_space<vmem>>, vector<16xf32>,
        %get3A_193 = arith.index_cast %scan3A_156 : i32 to index
        %get3A_194 = arith.constant 80 : index
        %get3A_195 = tpu.vector_load %arg14[%get3A_193, %get3A_194] {strides = array<i32>} : memref<64x128xf32, #tpu.memory_space<vmem>>, vector<16xf32>,
        %mul3A_196 = arith.mulf %get3A_195, %gather3A : vector<16xf32>
        %swap3A_197 = arith.index_cast %scan3A_156 : i32 to index
        %swap3A_198 = arith.constant 80 : index
        %swap3A_199 = tpu.vector_load %arg14[%swap3A_197, %swap3A_198] {strides = array<i32>} : memref<64x128xf32, #tpu.memory_space<vmem>>, vector<16xf32>,
        tpu.vector_store %arg14[%swap3A_197, %swap3A_198], %mul3A_196 {strides = array<i32>} : memref<64x128xf32, #tpu.memory_space<vmem>>, vector<16xf32>,
        %get3A_200 = arith.index_cast %scan3A_156 : i32 to index
        %get3A_201 = arith.constant 96 : index
        %get3A_202 = tpu.vector_load %arg14[%get3A_200, %get3A_201] {strides = array<i32>} : memref<64x128xf32, #tpu.memory_space<vmem>>, vector<16xf32>,
        %mul3A_203 = arith.mulf %get3A_202, %gather3A : vector<16xf32>
        %swap3A_204 = arith.index_cast %scan3A_156 : i32 to index
        %swap3A_205 = arith.constant 96 : index
        %swap3A_206 = tpu.vector_load %arg14[%swap3A_204, %swap3A_205] {strides = array<i32>} : memref<64x128xf32, #tpu.memory_space<vmem>>, vector<16xf32>,
        tpu.vector_store %arg14[%swap3A_204, %swap3A_205], %mul3A_203 {strides = array<i32>} : memref<64x128xf32, #tpu.memory_space<vmem>>, vector<16xf32>,
        %get3A_207 = arith.index_cast %scan3A_156 : i32 to index
        %get3A_208 = arith.constant 112 : index
        %get3A_209 = tpu.vector_load %arg14[%get3A_207, %get3A_208] {strides = array<i32>} : memref<64x128xf32, #tpu.memory_space<vmem>>, vector<16xf32>,
        %mul3A_210 = arith.mulf %get3A_209, %gather3A : vector<16xf32>
        %swap3A_211 = arith.index_cast %scan3A_156 : i32 to index
        %swap3A_212 = arith.constant 112 : index
        %swap3A_213 = tpu.vector_load %arg14[%swap3A_211, %swap3A_212] {strides = array<i32>} : memref<64x128xf32, #tpu.memory_space<vmem>>, vector<16xf32>,
        tpu.vector_store %arg14[%swap3A_211, %swap3A_212], %mul3A_210 {strides = array<i32>} : memref<64x128xf32, #tpu.memory_space<vmem>>, vector<16xf32>,
        %scan3A_214 = arith.constant 0 : i32
        scf.yield %scan3A_214 : i32
      }
      %scan3A_154 = arith.constant 64 : i32
      "tpu.region"() ({
        %run_scoped3A = tpu.sem_alloc : memref<!tpu.dma_semaphore, #tpu.memory_space<semaphore_mem>>
        %dma_start3A_156 = arith.constant 0 : i32
        %dma_start3A_157 = arith.constant 0 : i32
        %dma_start3A_158 = tpu.memref_slice %arg8[%dma_start3A_156, %dma_start3A_157] : memref<10240x128xf32, #tpu.memory_space<vmem_shared>> -> memref<10240x128xf32, #tpu.memory_space<vmem_shared>>
        tpu.enqueue_indirect_dma source(%arg14 : memref<64x128xf32, #tpu.memory_space<vmem>>) target(%dma_start3A_158 : memref<10240x128xf32, #tpu.memory_space<vmem_shared>>) offsets(%arg13 : memref<64xi32, #tpu.memory_space<vmem>>) semaphore(%run_scoped3A : memref<!tpu.dma_semaphore, #tpu.memory_space<semaphore_mem>>) {add = true}
        %dma_wait3A_159 = arith.constant 0 : i32
        %dma_wait3A_160 = arith.constant 0 : i32
        %dma_wait3A_161 = tpu.memref_slice %arg8[%dma_wait3A_159, %dma_wait3A_160] : memref<10240x128xf32, #tpu.memory_space<vmem_shared>> -> memref<10240x128xf32, #tpu.memory_space<vmem_shared>>
        tpu.wait_indirect_dma semaphore(%run_scoped3A : memref<!tpu.dma_semaphore, #tpu.memory_space<semaphore_mem>>) src(%arg14 : memref<64x128xf32, #tpu.memory_space<vmem>>) dst(%dma_wait3A_161 : memref<10240x128xf32, #tpu.memory_space<vmem_shared>>)
        tpu.yield
      }) : () -> ()
      "tpu.region"() ({
        %run_scoped3A = tpu.sem_alloc : memref<!tpu.dma_semaphore, #tpu.memory_space<semaphore_mem>>
        %dma_start3A_156 = arith.constant 0 : i32
        %dma_start3A_157 = tpu.memref_slice %arg9[%dma_start3A_156] : memref<10240xf32, #tpu.memory_space<vmem_shared>> -> memref<10240xf32, #tpu.memory_space<vmem_shared>>
        tpu.enqueue_indirect_dma source(%arg15 : memref<64xf32, #tpu.memory_space<vmem>>) target(%dma_start3A_157 : memref<10240xf32, #tpu.memory_space<vmem_shared>>) offsets(%arg13 : memref<64xi32, #tpu.memory_space<vmem>>) semaphore(%run_scoped3A : memref<!tpu.dma_semaphore, #tpu.memory_space<semaphore_mem>>) {add = true}
        %dma_wait3A_158 = arith.constant 0 : i32
        %dma_wait3A_159 = tpu.memref_slice %arg9[%dma_wait3A_158] : memref<10240xf32, #tpu.memory_space<vmem_shared>> -> memref<10240xf32, #tpu.memory_space<vmem_shared>>
        tpu.wait_indirect_dma semaphore(%run_scoped3A : memref<!tpu.dma_semaphore, #tpu.memory_space<semaphore_mem>>) src(%arg15 : memref<64xf32, #tpu.memory_space<vmem>>) dst(%dma_wait3A_159 : memref<10240xf32, #tpu.memory_space<vmem_shared>>)
        tpu.yield
      }) : () -> ()
      %scan3A_155 = arith.constant 0 : i32
      scf.yield %scan3A_155 : i32
    }
    %scan3A_52 = arith.constant 323 : i32
    %barrier3A_53 = arith.constant 0 : index
    tpu.barrier barrier_id(%barrier3A_53)
    %scan3A_54 = arith.constant 0 : i32
    %scan3A_55 = arith.constant 0 : i32
    %scan3A_56 = arith.constant 10 : i32
    %scan3A_57 = arith.addi %scan3A_55, %scan3A_56 : i32
    %scan3A_58 = arith.constant 1 : i32
    %scan3A_59 = scf.for %scan3A_130 = %scan3A_55 to %scan3A_57 step %scan3A_58 iter_args(%scan3A_131 = %scan3A_54) -> (i32)  : i32 {
      %mul3A_132 = arith.constant 640 : i32
      %mul3A_133 = arith.muli %arg1, %mul3A_132 : i32
      %mul3A_134 = arith.constant 64 : i32
      %mul3A_135 = arith.muli %scan3A_130, %mul3A_134 : i32
      %add3A_136 = arith.addi %mul3A_133, %mul3A_135 : i32
      %multiple_of3A = tpu.assume_multiple %add3A_136, 64 : i32
      "tpu.region"() ({
        %run_scoped3A = tpu.sem_alloc : memref<!tpu.dma_semaphore, #tpu.memory_space<semaphore_mem>>
        %dma_start3A = arith.constant 0 : i32
        %dma_start3A_148 = tpu.memref_slice %arg8[%multiple_of3A, %dma_start3A] : memref<10240x128xf32, #tpu.memory_space<vmem_shared>> -> memref<64x128xf32, #tpu.memory_space<vmem_shared>>
        %dma_start3A_149 = arith.constant 0 : i32
        %dma_start3A_150 = tpu.memref_slice %arg8[%multiple_of3A, %dma_start3A_149] : memref<10240x128xf32, #tpu.memory_space<vmem_shared>> -> memref<64x128xf32, #tpu.memory_space<vmem_shared>>
        tpu.enqueue_dma source(%dma_start3A_150 : memref<64x128xf32, #tpu.memory_space<vmem_shared>>) target(%arg14 : memref<64x128xf32, #tpu.memory_space<vmem>>) target_semaphore(%run_scoped3A : memref<!tpu.dma_semaphore, #tpu.memory_space<semaphore_mem>>)
        %dma_wait3A = arith.constant 0 : i32
        %dma_wait3A_151 = tpu.memref_slice %arg8[%multiple_of3A, %dma_wait3A] : memref<10240x128xf32, #tpu.memory_space<vmem_shared>> -> memref<64x128xf32, #tpu.memory_space<vmem_shared>>
        %dma_wait3A_152 = arith.constant 0 : i32
        %dma_wait3A_153 = tpu.memref_slice %arg8[%multiple_of3A, %dma_wait3A_152] : memref<10240x128xf32, #tpu.memory_space<vmem_shared>> -> memref<64x128xf32, #tpu.memory_space<vmem_shared>>
        tpu.wait_dma2 semaphore(%run_scoped3A : memref<!tpu.dma_semaphore, #tpu.memory_space<semaphore_mem>>) src(%dma_wait3A_153 : memref<64x128xf32, #tpu.memory_space<vmem_shared>>) dst(%arg14 : memref<64x128xf32, #tpu.memory_space<vmem>>)
        tpu.yield
      }) : () -> ()
      "tpu.region"() ({
        %run_scoped3A = tpu.sem_alloc : memref<!tpu.dma_semaphore, #tpu.memory_space<semaphore_mem>>
        %dma_start3A = tpu.memref_slice %arg9[%multiple_of3A] : memref<10240xf32, #tpu.memory_space<vmem_shared>> -> memref<64xf32, #tpu.memory_space<vmem_shared>>
        %dma_start3A_148 = tpu.memref_slice %arg9[%multiple_of3A] : memref<10240xf32, #tpu.memory_space<vmem_shared>> -> memref<64xf32, #tpu.memory_space<vmem_shared>>
        tpu.enqueue_dma source(%dma_start3A_148 : memref<64xf32, #tpu.memory_space<vmem_shared>>) target(%arg15 : memref<64xf32, #tpu.memory_space<vmem>>) target_semaphore(%run_scoped3A : memref<!tpu.dma_semaphore, #tpu.memory_space<semaphore_mem>>)
        %dma_wait3A = tpu.memref_slice %arg9[%multiple_of3A] : memref<10240xf32, #tpu.memory_space<vmem_shared>> -> memref<64xf32, #tpu.memory_space<vmem_shared>>
        %dma_wait3A_149 = tpu.memref_slice %arg9[%multiple_of3A] : memref<10240xf32, #tpu.memory_space<vmem_shared>> -> memref<64xf32, #tpu.memory_space<vmem_shared>>
        tpu.wait_dma2 semaphore(%run_scoped3A : memref<!tpu.dma_semaphore, #tpu.memory_space<semaphore_mem>>) src(%dma_wait3A_149 : memref<64xf32, #tpu.memory_space<vmem_shared>>) dst(%arg15 : memref<64xf32, #tpu.memory_space<vmem>>)
        tpu.yield
      }) : () -> ()
      %scan3A_137 = arith.constant 0 : i32
      %scan3A_138 = arith.constant 0 : i32
      %scan3A_139 = arith.constant 64 : i32
      %scan3A_140 = arith.addi %scan3A_138, %scan3A_139 : i32
      %scan3A_141 = arith.constant 1 : i32
      %scan3A_142 = scf.for %scan3A_148 = %scan3A_138 to %scan3A_140 step %scan3A_141 iter_args(%scan3A_149 = %scan3A_137) -> (i32)  : i32 {
        %broadcast_in_dim3A_150 = vector.broadcast %scan3A_148 : i32 to vector<16xi32>
        %gather3A = tpu.vector_load_idx %arg15[%broadcast_in_dim3A_150] : memref<64xf32, #tpu.memory_space<vmem>>[vector<16xi32>], vector<16xf32>,
        %add3A_151 = arith.constant 1.000000e-16 : f32
        %add3A_152 = vector.broadcast %add3A_151 : f32 to vector<16xf32>
        %add3A_153 = arith.addf %gather3A, %add3A_152 : vector<16xf32>
        %div3A = arith.constant 1.000000e+00 : f32
        %div3A_154 = vector.broadcast %div3A : f32 to vector<16xf32>
        %div3A_155 = arith.divf %div3A_154, %add3A_153 : vector<16xf32>
        %get3A = arith.index_cast %scan3A_148 : i32 to index
        %get3A_156 = arith.constant 0 : index
        %get3A_157 = tpu.vector_load %arg14[%get3A, %get3A_156] {strides = array<i32>} : memref<64x128xf32, #tpu.memory_space<vmem>>, vector<16xf32>,
        %mul3A_158 = arith.mulf %get3A_157, %div3A_155 : vector<16xf32>
        %get3A_159 = arith.constant 0 : index
        %get3A_160 = tpu.vector_load %arg16[%get3A_159] {strides = array<i32>} : memref<128xf32, #tpu.memory_space<vmem>>, vector<16xf32>,
        %add3A_161 = arith.addf %mul3A_158, %get3A_160 : vector<16xf32>
        %swap3A_162 = arith.index_cast %scan3A_148 : i32 to index
        %swap3A_163 = arith.constant 0 : index
        %swap3A_164 = tpu.vector_load %arg14[%swap3A_162, %swap3A_163] {strides = array<i32>} : memref<64x128xf32, #tpu.memory_space<vmem>>, vector<16xf32>,
        tpu.vector_store %arg14[%swap3A_162, %swap3A_163], %add3A_161 {strides = array<i32>} : memref<64x128xf32, #tpu.memory_space<vmem>>, vector<16xf32>,
        %get3A_165 = arith.index_cast %scan3A_148 : i32 to index
        %get3A_166 = arith.constant 16 : index
        %get3A_167 = tpu.vector_load %arg14[%get3A_165, %get3A_166] {strides = array<i32>} : memref<64x128xf32, #tpu.memory_space<vmem>>, vector<16xf32>,
        %mul3A_168 = arith.mulf %get3A_167, %div3A_155 : vector<16xf32>
        %get3A_169 = arith.constant 16 : index
        %get3A_170 = tpu.vector_load %arg16[%get3A_169] {strides = array<i32>} : memref<128xf32, #tpu.memory_space<vmem>>, vector<16xf32>,
        %add3A_171 = arith.addf %mul3A_168, %get3A_170 : vector<16xf32>
        %swap3A_172 = arith.index_cast %scan3A_148 : i32 to index
        %swap3A_173 = arith.constant 16 : index
        %swap3A_174 = tpu.vector_load %arg14[%swap3A_172, %swap3A_173] {strides = array<i32>} : memref<64x128xf32, #tpu.memory_space<vmem>>, vector<16xf32>,
        tpu.vector_store %arg14[%swap3A_172, %swap3A_173], %add3A_171 {strides = array<i32>} : memref<64x128xf32, #tpu.memory_space<vmem>>, vector<16xf32>,
        %get3A_175 = arith.index_cast %scan3A_148 : i32 to index
        %get3A_176 = arith.constant 32 : index
        %get3A_177 = tpu.vector_load %arg14[%get3A_175, %get3A_176] {strides = array<i32>} : memref<64x128xf32, #tpu.memory_space<vmem>>, vector<16xf32>,
        %mul3A_178 = arith.mulf %get3A_177, %div3A_155 : vector<16xf32>
        %get3A_179 = arith.constant 32 : index
        %get3A_180 = tpu.vector_load %arg16[%get3A_179] {strides = array<i32>} : memref<128xf32, #tpu.memory_space<vmem>>, vector<16xf32>,
        %add3A_181 = arith.addf %mul3A_178, %get3A_180 : vector<16xf32>
        %swap3A_182 = arith.index_cast %scan3A_148 : i32 to index
        %swap3A_183 = arith.constant 32 : index
        %swap3A_184 = tpu.vector_load %arg14[%swap3A_182, %swap3A_183] {strides = array<i32>} : memref<64x128xf32, #tpu.memory_space<vmem>>, vector<16xf32>,
        tpu.vector_store %arg14[%swap3A_182, %swap3A_183], %add3A_181 {strides = array<i32>} : memref<64x128xf32, #tpu.memory_space<vmem>>, vector<16xf32>,
        %get3A_185 = arith.index_cast %scan3A_148 : i32 to index
        %get3A_186 = arith.constant 48 : index
        %get3A_187 = tpu.vector_load %arg14[%get3A_185, %get3A_186] {strides = array<i32>} : memref<64x128xf32, #tpu.memory_space<vmem>>, vector<16xf32>,
        %mul3A_188 = arith.mulf %get3A_187, %div3A_155 : vector<16xf32>
        %get3A_189 = arith.constant 48 : index
        %get3A_190 = tpu.vector_load %arg16[%get3A_189] {strides = array<i32>} : memref<128xf32, #tpu.memory_space<vmem>>, vector<16xf32>,
        %add3A_191 = arith.addf %mul3A_188, %get3A_190 : vector<16xf32>
        %swap3A_192 = arith.index_cast %scan3A_148 : i32 to index
        %swap3A_193 = arith.constant 48 : index
        %swap3A_194 = tpu.vector_load %arg14[%swap3A_192, %swap3A_193] {strides = array<i32>} : memref<64x128xf32, #tpu.memory_space<vmem>>, vector<16xf32>,
        tpu.vector_store %arg14[%swap3A_192, %swap3A_193], %add3A_191 {strides = array<i32>} : memref<64x128xf32, #tpu.memory_space<vmem>>, vector<16xf32>,
        %get3A_195 = arith.index_cast %scan3A_148 : i32 to index
        %get3A_196 = arith.constant 64 : index
        %get3A_197 = tpu.vector_load %arg14[%get3A_195, %get3A_196] {strides = array<i32>} : memref<64x128xf32, #tpu.memory_space<vmem>>, vector<16xf32>,
        %mul3A_198 = arith.mulf %get3A_197, %div3A_155 : vector<16xf32>
        %get3A_199 = arith.constant 64 : index
        %get3A_200 = tpu.vector_load %arg16[%get3A_199] {strides = array<i32>} : memref<128xf32, #tpu.memory_space<vmem>>, vector<16xf32>,
        %add3A_201 = arith.addf %mul3A_198, %get3A_200 : vector<16xf32>
        %swap3A_202 = arith.index_cast %scan3A_148 : i32 to index
        %swap3A_203 = arith.constant 64 : index
        %swap3A_204 = tpu.vector_load %arg14[%swap3A_202, %swap3A_203] {strides = array<i32>} : memref<64x128xf32, #tpu.memory_space<vmem>>, vector<16xf32>,
        tpu.vector_store %arg14[%swap3A_202, %swap3A_203], %add3A_201 {strides = array<i32>} : memref<64x128xf32, #tpu.memory_space<vmem>>, vector<16xf32>,
        %get3A_205 = arith.index_cast %scan3A_148 : i32 to index
        %get3A_206 = arith.constant 80 : index
        %get3A_207 = tpu.vector_load %arg14[%get3A_205, %get3A_206] {strides = array<i32>} : memref<64x128xf32, #tpu.memory_space<vmem>>, vector<16xf32>,
        %mul3A_208 = arith.mulf %get3A_207, %div3A_155 : vector<16xf32>
        %get3A_209 = arith.constant 80 : index
        %get3A_210 = tpu.vector_load %arg16[%get3A_209] {strides = array<i32>} : memref<128xf32, #tpu.memory_space<vmem>>, vector<16xf32>,
        %add3A_211 = arith.addf %mul3A_208, %get3A_210 : vector<16xf32>
        %swap3A_212 = arith.index_cast %scan3A_148 : i32 to index
        %swap3A_213 = arith.constant 80 : index
        %swap3A_214 = tpu.vector_load %arg14[%swap3A_212, %swap3A_213] {strides = array<i32>} : memref<64x128xf32, #tpu.memory_space<vmem>>, vector<16xf32>,
        tpu.vector_store %arg14[%swap3A_212, %swap3A_213], %add3A_211 {strides = array<i32>} : memref<64x128xf32, #tpu.memory_space<vmem>>, vector<16xf32>,
        %get3A_215 = arith.index_cast %scan3A_148 : i32 to index
        %get3A_216 = arith.constant 96 : index
        %get3A_217 = tpu.vector_load %arg14[%get3A_215, %get3A_216] {strides = array<i32>} : memref<64x128xf32, #tpu.memory_space<vmem>>, vector<16xf32>,
        %mul3A_218 = arith.mulf %get3A_217, %div3A_155 : vector<16xf32>
        %get3A_219 = arith.constant 96 : index
        %get3A_220 = tpu.vector_load %arg16[%get3A_219] {strides = array<i32>} : memref<128xf32, #tpu.memory_space<vmem>>, vector<16xf32>,
        %add3A_221 = arith.addf %mul3A_218, %get3A_220 : vector<16xf32>
        %swap3A_222 = arith.index_cast %scan3A_148 : i32 to index
        %swap3A_223 = arith.constant 96 : index
        %swap3A_224 = tpu.vector_load %arg14[%swap3A_222, %swap3A_223] {strides = array<i32>} : memref<64x128xf32, #tpu.memory_space<vmem>>, vector<16xf32>,
        tpu.vector_store %arg14[%swap3A_222, %swap3A_223], %add3A_221 {strides = array<i32>} : memref<64x128xf32, #tpu.memory_space<vmem>>, vector<16xf32>,
        %get3A_225 = arith.index_cast %scan3A_148 : i32 to index
        %get3A_226 = arith.constant 112 : index
        %get3A_227 = tpu.vector_load %arg14[%get3A_225, %get3A_226] {strides = array<i32>} : memref<64x128xf32, #tpu.memory_space<vmem>>, vector<16xf32>,
        %mul3A_228 = arith.mulf %get3A_227, %div3A_155 : vector<16xf32>
        %get3A_229 = arith.constant 112 : index
        %get3A_230 = tpu.vector_load %arg16[%get3A_229] {strides = array<i32>} : memref<128xf32, #tpu.memory_space<vmem>>, vector<16xf32>,
        %add3A_231 = arith.addf %mul3A_228, %get3A_230 : vector<16xf32>
        %swap3A_232 = arith.index_cast %scan3A_148 : i32 to index
        %swap3A_233 = arith.constant 112 : index
        %swap3A_234 = tpu.vector_load %arg14[%swap3A_232, %swap3A_233] {strides = array<i32>} : memref<64x128xf32, #tpu.memory_space<vmem>>, vector<16xf32>,
        tpu.vector_store %arg14[%swap3A_232, %swap3A_233], %add3A_231 {strides = array<i32>} : memref<64x128xf32, #tpu.memory_space<vmem>>, vector<16xf32>,
        %scan3A_235 = arith.constant 0 : i32
        scf.yield %scan3A_235 : i32
      }
      %scan3A_143 = arith.constant 64 : i32
      %mul3A_144 = arith.constant 10240 : i32
      %mul3A_145 = arith.muli %add3A_1, %mul3A_144 : i32
      %add3A_146 = arith.addi %mul3A_145, %multiple_of3A : i32
      "tpu.region"() ({
        %run_scoped3A = tpu.sem_alloc : memref<!tpu.dma_semaphore, #tpu.memory_space<semaphore_mem>>
        %dma_start3A = arith.constant 0 : i32
        %dma_start3A_148 = tpu.memref_slice %arg7[%add3A_146, %dma_start3A] : memref<40960x128xf32, #tpu.memory_space<hbm>> -> memref<64x128xf32, #tpu.memory_space<hbm>>
        %dma_start3A_149 = arith.constant 0 : i32
        %dma_start3A_150 = tpu.memref_slice %arg7[%add3A_146, %dma_start3A_149] : memref<40960x128xf32, #tpu.memory_space<hbm>> -> memref<64x128xf32, #tpu.memory_space<hbm>>
        tpu.enqueue_dma source(%arg14 : memref<64x128xf32, #tpu.memory_space<vmem>>) target(%dma_start3A_150 : memref<64x128xf32, #tpu.memory_space<hbm>>) target_semaphore(%run_scoped3A : memref<!tpu.dma_semaphore, #tpu.memory_space<semaphore_mem>>)
        %dma_wait3A = arith.constant 0 : i32
        %dma_wait3A_151 = tpu.memref_slice %arg7[%add3A_146, %dma_wait3A] : memref<40960x128xf32, #tpu.memory_space<hbm>> -> memref<64x128xf32, #tpu.memory_space<hbm>>
        %dma_wait3A_152 = arith.constant 0 : i32
        %dma_wait3A_153 = tpu.memref_slice %arg7[%add3A_146, %dma_wait3A_152] : memref<40960x128xf32, #tpu.memory_space<hbm>> -> memref<64x128xf32, #tpu.memory_space<hbm>>
        tpu.wait_dma2 semaphore(%run_scoped3A : memref<!tpu.dma_semaphore, #tpu.memory_space<semaphore_mem>>) src(%arg14 : memref<64x128xf32, #tpu.memory_space<vmem>>) dst(%dma_wait3A_153 : memref<64x128xf32, #tpu.memory_space<hbm>>)
        tpu.yield
      }) : () -> ()
      %scan3A_147 = arith.constant 0 : i32
      scf.yield %scan3A_147 : i32
    }
    %scan3A_60 = arith.constant 10 : i32
    %barrier3A_61 = arith.constant 0 : index
    tpu.barrier barrier_id(%barrier3A_61)
    %mul3A_62 = arith.constant 2 : i32
    %mul3A_63 = arith.muli %arg0, %mul3A_62 : i32
    %add3A_64 = arith.constant 1 : i32
    %add3A_65 = arith.addi %mul3A_63, %add3A_64 : i32
    %mul3A_66 = arith.constant 2 : i32
    %mul3A_67 = arith.muli %mul3A_66, %add3A_65 : i32
    %mul3A_68 = arith.constant 10016 : i32
    %mul3A_69 = arith.muli %mul3A_67, %mul3A_68 : i32
    "tpu.region"() ({
      %run_scoped3A = tpu.sem_alloc : memref<!tpu.dma_semaphore, #tpu.memory_space<semaphore_mem>>
      %dma_start3A = tpu.memref_slice %arg3[%mul3A_69] : memref<80128xf32, #tpu.memory_space<hbm>> -> memref<10016xf32, #tpu.memory_space<hbm>>
      %dma_start3A_130 = tpu.memref_slice %arg3[%mul3A_69] : memref<80128xf32, #tpu.memory_space<hbm>> -> memref<10016xf32, #tpu.memory_space<hbm>>
      tpu.enqueue_dma source(%dma_start3A_130 : memref<10016xf32, #tpu.memory_space<hbm>>) target(%arg10 : memref<10016xf32, #tpu.memory_space<vmem>>) target_semaphore(%run_scoped3A : memref<!tpu.dma_semaphore, #tpu.memory_space<semaphore_mem>>)
      %dma_wait3A = tpu.memref_slice %arg3[%mul3A_69] : memref<80128xf32, #tpu.memory_space<hbm>> -> memref<10016xf32, #tpu.memory_space<hbm>>
      %dma_wait3A_131 = tpu.memref_slice %arg3[%mul3A_69] : memref<80128xf32, #tpu.memory_space<hbm>> -> memref<10016xf32, #tpu.memory_space<hbm>>
      tpu.wait_dma2 semaphore(%run_scoped3A : memref<!tpu.dma_semaphore, #tpu.memory_space<semaphore_mem>>) src(%dma_wait3A_131 : memref<10016xf32, #tpu.memory_space<hbm>>) dst(%arg10 : memref<10016xf32, #tpu.memory_space<vmem>>)
      tpu.yield
    }) : () -> ()
    %mul3A_70 = arith.constant 2 : i32
    %mul3A_71 = arith.muli %mul3A_70, %add3A_65 : i32
    %add3A_72 = arith.constant 1 : i32
    %add3A_73 = arith.addi %mul3A_71, %add3A_72 : i32
    %mul3A_74 = arith.constant 10016 : i32
    %mul3A_75 = arith.muli %add3A_73, %mul3A_74 : i32
    "tpu.region"() ({
      %run_scoped3A = tpu.sem_alloc : memref<!tpu.dma_semaphore, #tpu.memory_space<semaphore_mem>>
      %dma_start3A = tpu.memref_slice %arg3[%mul3A_75] : memref<80128xf32, #tpu.memory_space<hbm>> -> memref<10016xf32, #tpu.memory_space<hbm>>
      %dma_start3A_130 = tpu.memref_slice %arg3[%mul3A_75] : memref<80128xf32, #tpu.memory_space<hbm>> -> memref<10016xf32, #tpu.memory_space<hbm>>
      tpu.enqueue_dma source(%dma_start3A_130 : memref<10016xf32, #tpu.memory_space<hbm>>) target(%arg11 : memref<10016xf32, #tpu.memory_space<vmem>>) target_semaphore(%run_scoped3A : memref<!tpu.dma_semaphore, #tpu.memory_space<semaphore_mem>>)
      %dma_wait3A = tpu.memref_slice %arg3[%mul3A_75] : memref<80128xf32, #tpu.memory_space<hbm>> -> memref<10016xf32, #tpu.memory_space<hbm>>
      %dma_wait3A_131 = tpu.memref_slice %arg3[%mul3A_75] : memref<80128xf32, #tpu.memory_space<hbm>> -> memref<10016xf32, #tpu.memory_space<hbm>>
      tpu.wait_dma2 semaphore(%run_scoped3A : memref<!tpu.dma_semaphore, #tpu.memory_space<semaphore_mem>>) src(%dma_wait3A_131 : memref<10016xf32, #tpu.memory_space<hbm>>) dst(%arg11 : memref<10016xf32, #tpu.memory_space<vmem>>)
      tpu.yield
    }) : () -> ()
    %mul3A_76 = arith.constant 128 : i32
    %mul3A_77 = arith.muli %add3A_65, %mul3A_76 : i32
    "tpu.region"() ({
      %run_scoped3A = tpu.sem_alloc : memref<!tpu.dma_semaphore, #tpu.memory_space<semaphore_mem>>
      %dma_start3A = tpu.memref_slice %arg6[%mul3A_77] : memref<512xf32, #tpu.memory_space<hbm>> -> memref<128xf32, #tpu.memory_space<hbm>>
      %dma_start3A_130 = tpu.memref_slice %arg6[%mul3A_77] : memref<512xf32, #tpu.memory_space<hbm>> -> memref<128xf32, #tpu.memory_space<hbm>>
      tpu.enqueue_dma source(%dma_start3A_130 : memref<128xf32, #tpu.memory_space<hbm>>) target(%arg16 : memref<128xf32, #tpu.memory_space<vmem>>) target_semaphore(%run_scoped3A : memref<!tpu.dma_semaphore, #tpu.memory_space<semaphore_mem>>)
      %dma_wait3A = tpu.memref_slice %arg6[%mul3A_77] : memref<512xf32, #tpu.memory_space<hbm>> -> memref<128xf32, #tpu.memory_space<hbm>>
      %dma_wait3A_131 = tpu.memref_slice %arg6[%mul3A_77] : memref<512xf32, #tpu.memory_space<hbm>> -> memref<128xf32, #tpu.memory_space<hbm>>
      tpu.wait_dma2 semaphore(%run_scoped3A : memref<!tpu.dma_semaphore, #tpu.memory_space<semaphore_mem>>) src(%dma_wait3A_131 : memref<128xf32, #tpu.memory_space<hbm>>) dst(%arg16 : memref<128xf32, #tpu.memory_space<vmem>>)
      tpu.yield
    }) : () -> ()
    %scan3A_78 = arith.constant 0 : i32
    %scan3A_79 = arith.constant 0 : i32
    %scan3A_80 = arith.constant 64 : i32
    %scan3A_81 = arith.addi %scan3A_79, %scan3A_80 : i32
    %scan3A_82 = arith.constant 1 : i32
    %scan3A_83 = scf.for %scan3A_130 = %scan3A_79 to %scan3A_81 step %scan3A_82 iter_args(%scan3A_131 = %scan3A_78) -> (i32)  : i32 {
      %broadcast_in_dim3A_132 = arith.constant 0.000000e+00 : f32
      %broadcast_in_dim3A_133 = vector.broadcast %broadcast_in_dim3A_132 : f32 to vector<16xf32>
      %swap3A_134 = arith.index_cast %scan3A_130 : i32 to index
      %swap3A_135 = arith.constant 0 : index
      %swap3A_136 = tpu.vector_load %arg14[%swap3A_134, %swap3A_135] {strides = array<i32>} : memref<64x128xf32, #tpu.memory_space<vmem>>, vector<16xf32>,
      tpu.vector_store %arg14[%swap3A_134, %swap3A_135], %broadcast_in_dim3A_133 {strides = array<i32>} : memref<64x128xf32, #tpu.memory_space<vmem>>, vector<16xf32>,
      %broadcast_in_dim3A_137 = arith.constant 0.000000e+00 : f32
      %broadcast_in_dim3A_138 = vector.broadcast %broadcast_in_dim3A_137 : f32 to vector<16xf32>
      %swap3A_139 = arith.index_cast %scan3A_130 : i32 to index
      %swap3A_140 = arith.constant 16 : index
      %swap3A_141 = tpu.vector_load %arg14[%swap3A_139, %swap3A_140] {strides = array<i32>} : memref<64x128xf32, #tpu.memory_space<vmem>>, vector<16xf32>,
      tpu.vector_store %arg14[%swap3A_139, %swap3A_140], %broadcast_in_dim3A_138 {strides = array<i32>} : memref<64x128xf32, #tpu.memory_space<vmem>>, vector<16xf32>,
      %broadcast_in_dim3A_142 = arith.constant 0.000000e+00 : f32
      %broadcast_in_dim3A_143 = vector.broadcast %broadcast_in_dim3A_142 : f32 to vector<16xf32>
      %swap3A_144 = arith.index_cast %scan3A_130 : i32 to index
      %swap3A_145 = arith.constant 32 : index
      %swap3A_146 = tpu.vector_load %arg14[%swap3A_144, %swap3A_145] {strides = array<i32>} : memref<64x128xf32, #tpu.memory_space<vmem>>, vector<16xf32>,
      tpu.vector_store %arg14[%swap3A_144, %swap3A_145], %broadcast_in_dim3A_143 {strides = array<i32>} : memref<64x128xf32, #tpu.memory_space<vmem>>, vector<16xf32>,
      %broadcast_in_dim3A_147 = arith.constant 0.000000e+00 : f32
      %broadcast_in_dim3A_148 = vector.broadcast %broadcast_in_dim3A_147 : f32 to vector<16xf32>
      %swap3A_149 = arith.index_cast %scan3A_130 : i32 to index
      %swap3A_150 = arith.constant 48 : index
      %swap3A_151 = tpu.vector_load %arg14[%swap3A_149, %swap3A_150] {strides = array<i32>} : memref<64x128xf32, #tpu.memory_space<vmem>>, vector<16xf32>,
      tpu.vector_store %arg14[%swap3A_149, %swap3A_150], %broadcast_in_dim3A_148 {strides = array<i32>} : memref<64x128xf32, #tpu.memory_space<vmem>>, vector<16xf32>,
      %broadcast_in_dim3A_152 = arith.constant 0.000000e+00 : f32
      %broadcast_in_dim3A_153 = vector.broadcast %broadcast_in_dim3A_152 : f32 to vector<16xf32>
      %swap3A_154 = arith.index_cast %scan3A_130 : i32 to index
      %swap3A_155 = arith.constant 64 : index
      %swap3A_156 = tpu.vector_load %arg14[%swap3A_154, %swap3A_155] {strides = array<i32>} : memref<64x128xf32, #tpu.memory_space<vmem>>, vector<16xf32>,
      tpu.vector_store %arg14[%swap3A_154, %swap3A_155], %broadcast_in_dim3A_153 {strides = array<i32>} : memref<64x128xf32, #tpu.memory_space<vmem>>, vector<16xf32>,
      %broadcast_in_dim3A_157 = arith.constant 0.000000e+00 : f32
      %broadcast_in_dim3A_158 = vector.broadcast %broadcast_in_dim3A_157 : f32 to vector<16xf32>
      %swap3A_159 = arith.index_cast %scan3A_130 : i32 to index
      %swap3A_160 = arith.constant 80 : index
      %swap3A_161 = tpu.vector_load %arg14[%swap3A_159, %swap3A_160] {strides = array<i32>} : memref<64x128xf32, #tpu.memory_space<vmem>>, vector<16xf32>,
      tpu.vector_store %arg14[%swap3A_159, %swap3A_160], %broadcast_in_dim3A_158 {strides = array<i32>} : memref<64x128xf32, #tpu.memory_space<vmem>>, vector<16xf32>,
      %broadcast_in_dim3A_162 = arith.constant 0.000000e+00 : f32
      %broadcast_in_dim3A_163 = vector.broadcast %broadcast_in_dim3A_162 : f32 to vector<16xf32>
      %swap3A_164 = arith.index_cast %scan3A_130 : i32 to index
      %swap3A_165 = arith.constant 96 : index
      %swap3A_166 = tpu.vector_load %arg14[%swap3A_164, %swap3A_165] {strides = array<i32>} : memref<64x128xf32, #tpu.memory_space<vmem>>, vector<16xf32>,
      tpu.vector_store %arg14[%swap3A_164, %swap3A_165], %broadcast_in_dim3A_163 {strides = array<i32>} : memref<64x128xf32, #tpu.memory_space<vmem>>, vector<16xf32>,
      %broadcast_in_dim3A_167 = arith.constant 0.000000e+00 : f32
      %broadcast_in_dim3A_168 = vector.broadcast %broadcast_in_dim3A_167 : f32 to vector<16xf32>
      %swap3A_169 = arith.index_cast %scan3A_130 : i32 to index
      %swap3A_170 = arith.constant 112 : index
      %swap3A_171 = tpu.vector_load %arg14[%swap3A_169, %swap3A_170] {strides = array<i32>} : memref<64x128xf32, #tpu.memory_space<vmem>>, vector<16xf32>,
      tpu.vector_store %arg14[%swap3A_169, %swap3A_170], %broadcast_in_dim3A_168 {strides = array<i32>} : memref<64x128xf32, #tpu.memory_space<vmem>>, vector<16xf32>,
      %scan3A_172 = arith.constant 0 : i32
      scf.yield %scan3A_172 : i32
    }
    %scan3A_84 = arith.constant 64 : i32
    %broadcast_in_dim3A_85 = arith.constant 0.000000e+00 : f32
    %broadcast_in_dim3A_86 = vector.broadcast %broadcast_in_dim3A_85 : f32 to vector<16xf32>
    %swap3A_87 = arith.constant 0 : index
    %swap3A_88 = tpu.vector_load %arg15[%swap3A_87] {strides = array<i32>} : memref<64xf32, #tpu.memory_space<vmem>>, vector<16xf32>,
    tpu.vector_store %arg15[%swap3A_87], %broadcast_in_dim3A_86 {strides = array<i32>} : memref<64xf32, #tpu.memory_space<vmem>>, vector<16xf32>,
    %broadcast_in_dim3A_89 = arith.constant 0.000000e+00 : f32
    %broadcast_in_dim3A_90 = vector.broadcast %broadcast_in_dim3A_89 : f32 to vector<16xf32>
    %swap3A_91 = arith.constant 16 : index
    %swap3A_92 = tpu.vector_load %arg15[%swap3A_91] {strides = array<i32>} : memref<64xf32, #tpu.memory_space<vmem>>, vector<16xf32>,
    tpu.vector_store %arg15[%swap3A_91], %broadcast_in_dim3A_90 {strides = array<i32>} : memref<64xf32, #tpu.memory_space<vmem>>, vector<16xf32>,
    %broadcast_in_dim3A_93 = arith.constant 0.000000e+00 : f32
    %broadcast_in_dim3A_94 = vector.broadcast %broadcast_in_dim3A_93 : f32 to vector<16xf32>
    %swap3A_95 = arith.constant 32 : index
    %swap3A_96 = tpu.vector_load %arg15[%swap3A_95] {strides = array<i32>} : memref<64xf32, #tpu.memory_space<vmem>>, vector<16xf32>,
    tpu.vector_store %arg15[%swap3A_95], %broadcast_in_dim3A_94 {strides = array<i32>} : memref<64xf32, #tpu.memory_space<vmem>>, vector<16xf32>,
    %broadcast_in_dim3A_97 = arith.constant 0.000000e+00 : f32
    %broadcast_in_dim3A_98 = vector.broadcast %broadcast_in_dim3A_97 : f32 to vector<16xf32>
    %swap3A_99 = arith.constant 48 : index
    %swap3A_100 = tpu.vector_load %arg15[%swap3A_99] {strides = array<i32>} : memref<64xf32, #tpu.memory_space<vmem>>, vector<16xf32>,
    tpu.vector_store %arg15[%swap3A_99], %broadcast_in_dim3A_98 {strides = array<i32>} : memref<64xf32, #tpu.memory_space<vmem>>, vector<16xf32>,
    %scan3A_101 = arith.constant 0 : i32
    %scan3A_102 = arith.constant 0 : i32
    %scan3A_103 = arith.constant 10 : i32
    %scan3A_104 = arith.addi %scan3A_102, %scan3A_103 : i32
    %scan3A_105 = arith.constant 1 : i32
    %scan3A_106 = scf.for %scan3A_130 = %scan3A_102 to %scan3A_104 step %scan3A_105 iter_args(%scan3A_131 = %scan3A_101) -> (i32)  : i32 {
      %mul3A_132 = arith.constant 640 : i32
      %mul3A_133 = arith.muli %arg1, %mul3A_132 : i32
      %mul3A_134 = arith.constant 64 : i32
      %mul3A_135 = arith.muli %scan3A_130, %mul3A_134 : i32
      %add3A_136 = arith.addi %mul3A_133, %mul3A_135 : i32
      %multiple_of3A = tpu.assume_multiple %add3A_136, 64 : i32
      "tpu.region"() ({
        %run_scoped3A = tpu.sem_alloc : memref<!tpu.dma_semaphore, #tpu.memory_space<semaphore_mem>>
        %dma_start3A = arith.constant 0 : i32
        %dma_start3A_138 = tpu.memref_slice %arg8[%multiple_of3A, %dma_start3A] : memref<10240x128xf32, #tpu.memory_space<vmem_shared>> -> memref<64x128xf32, #tpu.memory_space<vmem_shared>>
        %dma_start3A_139 = arith.constant 0 : i32
        %dma_start3A_140 = tpu.memref_slice %arg8[%multiple_of3A, %dma_start3A_139] : memref<10240x128xf32, #tpu.memory_space<vmem_shared>> -> memref<64x128xf32, #tpu.memory_space<vmem_shared>>
        tpu.enqueue_dma source(%arg14 : memref<64x128xf32, #tpu.memory_space<vmem>>) target(%dma_start3A_140 : memref<64x128xf32, #tpu.memory_space<vmem_shared>>) target_semaphore(%run_scoped3A : memref<!tpu.dma_semaphore, #tpu.memory_space<semaphore_mem>>)
        %dma_wait3A = arith.constant 0 : i32
        %dma_wait3A_141 = tpu.memref_slice %arg8[%multiple_of3A, %dma_wait3A] : memref<10240x128xf32, #tpu.memory_space<vmem_shared>> -> memref<64x128xf32, #tpu.memory_space<vmem_shared>>
        %dma_wait3A_142 = arith.constant 0 : i32
        %dma_wait3A_143 = tpu.memref_slice %arg8[%multiple_of3A, %dma_wait3A_142] : memref<10240x128xf32, #tpu.memory_space<vmem_shared>> -> memref<64x128xf32, #tpu.memory_space<vmem_shared>>
        tpu.wait_dma2 semaphore(%run_scoped3A : memref<!tpu.dma_semaphore, #tpu.memory_space<semaphore_mem>>) src(%arg14 : memref<64x128xf32, #tpu.memory_space<vmem>>) dst(%dma_wait3A_143 : memref<64x128xf32, #tpu.memory_space<vmem_shared>>)
        tpu.yield
      }) : () -> ()
      "tpu.region"() ({
        %run_scoped3A = tpu.sem_alloc : memref<!tpu.dma_semaphore, #tpu.memory_space<semaphore_mem>>
        %dma_start3A = tpu.memref_slice %arg9[%multiple_of3A] : memref<10240xf32, #tpu.memory_space<vmem_shared>> -> memref<64xf32, #tpu.memory_space<vmem_shared>>
        %dma_start3A_138 = tpu.memref_slice %arg9[%multiple_of3A] : memref<10240xf32, #tpu.memory_space<vmem_shared>> -> memref<64xf32, #tpu.memory_space<vmem_shared>>
        tpu.enqueue_dma source(%arg15 : memref<64xf32, #tpu.memory_space<vmem>>) target(%dma_start3A_138 : memref<64xf32, #tpu.memory_space<vmem_shared>>) target_semaphore(%run_scoped3A : memref<!tpu.dma_semaphore, #tpu.memory_space<semaphore_mem>>)
        %dma_wait3A = tpu.memref_slice %arg9[%multiple_of3A] : memref<10240xf32, #tpu.memory_space<vmem_shared>> -> memref<64xf32, #tpu.memory_space<vmem_shared>>
        %dma_wait3A_139 = tpu.memref_slice %arg9[%multiple_of3A] : memref<10240xf32, #tpu.memory_space<vmem_shared>> -> memref<64xf32, #tpu.memory_space<vmem_shared>>
        tpu.wait_dma2 semaphore(%run_scoped3A : memref<!tpu.dma_semaphore, #tpu.memory_space<semaphore_mem>>) src(%arg15 : memref<64xf32, #tpu.memory_space<vmem>>) dst(%dma_wait3A_139 : memref<64xf32, #tpu.memory_space<vmem_shared>>)
        tpu.yield
      }) : () -> ()
      %scan3A_137 = arith.constant 0 : i32
      scf.yield %scan3A_137 : i32
    }
    %scan3A_107 = arith.constant 10 : i32
    %barrier3A_108 = arith.constant 0 : index
    tpu.barrier barrier_id(%barrier3A_108)
    %mul3A_109 = arith.constant 330752 : i32
    %mul3A_110 = arith.muli %add3A_65, %mul3A_109 : i32
    %mul3A_111 = arith.constant 20672 : i32
    %mul3A_112 = arith.muli %arg1, %mul3A_111 : i32
    %add3A_113 = arith.addi %mul3A_110, %mul3A_112 : i32
    %scan3A_114 = arith.constant 0 : i32
    %scan3A_115 = arith.constant 0 : i32
    %scan3A_116 = arith.constant 323 : i32
    %scan3A_117 = arith.addi %scan3A_115, %scan3A_116 : i32
    %scan3A_118 = arith.constant 1 : i32
    %scan3A_119 = scf.for %scan3A_130 = %scan3A_115 to %scan3A_117 step %scan3A_118 iter_args(%scan3A_131 = %scan3A_114) -> (i32)  : i32 {
      %mul3A_132 = arith.constant 64 : i32
      %mul3A_133 = arith.muli %scan3A_130, %mul3A_132 : i32
      %add3A_134 = arith.addi %add3A_113, %mul3A_133 : i32
      "tpu.region"() ({
        %run_scoped3A = tpu.sem_alloc : memref<!tpu.dma_semaphore, #tpu.memory_space<semaphore_mem>>
        %dma_start3A_156 = tpu.memref_slice %arg4[%add3A_134] : memref<1323008xi32, #tpu.memory_space<hbm>> -> memref<64xi32, #tpu.memory_space<hbm>>
        %dma_start3A_157 = tpu.memref_slice %arg4[%add3A_134] : memref<1323008xi32, #tpu.memory_space<hbm>> -> memref<64xi32, #tpu.memory_space<hbm>>
        tpu.enqueue_dma source(%dma_start3A_157 : memref<64xi32, #tpu.memory_space<hbm>>) target(%arg12 : memref<64xi32, #tpu.memory_space<vmem>>) target_semaphore(%run_scoped3A : memref<!tpu.dma_semaphore, #tpu.memory_space<semaphore_mem>>)
        %dma_wait3A_158 = tpu.memref_slice %arg4[%add3A_134] : memref<1323008xi32, #tpu.memory_space<hbm>> -> memref<64xi32, #tpu.memory_space<hbm>>
        %dma_wait3A_159 = tpu.memref_slice %arg4[%add3A_134] : memref<1323008xi32, #tpu.memory_space<hbm>> -> memref<64xi32, #tpu.memory_space<hbm>>
        tpu.wait_dma2 semaphore(%run_scoped3A : memref<!tpu.dma_semaphore, #tpu.memory_space<semaphore_mem>>) src(%dma_wait3A_159 : memref<64xi32, #tpu.memory_space<hbm>>) dst(%arg12 : memref<64xi32, #tpu.memory_space<vmem>>)
        tpu.yield
      }) : () -> ()
      "tpu.region"() ({
        %run_scoped3A = tpu.sem_alloc : memref<!tpu.dma_semaphore, #tpu.memory_space<semaphore_mem>>
        %dma_start3A_156 = tpu.memref_slice %arg5[%add3A_134] : memref<1323008xi32, #tpu.memory_space<hbm>> -> memref<64xi32, #tpu.memory_space<hbm>>
        %dma_start3A_157 = tpu.memref_slice %arg5[%add3A_134] : memref<1323008xi32, #tpu.memory_space<hbm>> -> memref<64xi32, #tpu.memory_space<hbm>>
        tpu.enqueue_dma source(%dma_start3A_157 : memref<64xi32, #tpu.memory_space<hbm>>) target(%arg13 : memref<64xi32, #tpu.memory_space<vmem>>) target_semaphore(%run_scoped3A : memref<!tpu.dma_semaphore, #tpu.memory_space<semaphore_mem>>)
        %dma_wait3A_158 = tpu.memref_slice %arg5[%add3A_134] : memref<1323008xi32, #tpu.memory_space<hbm>> -> memref<64xi32, #tpu.memory_space<hbm>>
        %dma_wait3A_159 = tpu.memref_slice %arg5[%add3A_134] : memref<1323008xi32, #tpu.memory_space<hbm>> -> memref<64xi32, #tpu.memory_space<hbm>>
        tpu.wait_dma2 semaphore(%run_scoped3A : memref<!tpu.dma_semaphore, #tpu.memory_space<semaphore_mem>>) src(%dma_wait3A_159 : memref<64xi32, #tpu.memory_space<hbm>>) dst(%arg13 : memref<64xi32, #tpu.memory_space<vmem>>)
        tpu.yield
      }) : () -> ()
      %dma_start3A = arith.constant 0 : i32
      %dma_start3A_135 = arith.constant 0 : i32
      %dma_start3A_136 = tpu.memref_slice %arg2[%dma_start3A, %dma_start3A_135] : memref<40000x128xf32, #tpu.memory_space<hbm>> -> memref<40000x128xf32, #tpu.memory_space<hbm>>
      tpu.enqueue_indirect_dma source(%dma_start3A_136 : memref<40000x128xf32, #tpu.memory_space<hbm>>) target(%arg14 : memref<64x128xf32, #tpu.memory_space<vmem>>) offsets(%arg12 : memref<64xi32, #tpu.memory_space<vmem>>) semaphore(%arg17 : memref<!tpu.dma_semaphore, #tpu.memory_space<semaphore_mem>>)
      %dma_wait3A = arith.constant 0 : i32
      %dma_wait3A_137 = arith.constant 0 : i32
      %dma_wait3A_138 = tpu.memref_slice %arg2[%dma_wait3A, %dma_wait3A_137] : memref<40000x128xf32, #tpu.memory_space<hbm>> -> memref<40000x128xf32, #tpu.memory_space<hbm>>
      tpu.wait_indirect_dma semaphore(%arg17 : memref<!tpu.dma_semaphore, #tpu.memory_space<semaphore_mem>>) src(%dma_wait3A_138 : memref<40000x128xf32, #tpu.memory_space<hbm>>) dst(%arg14 : memref<64x128xf32, #tpu.memory_space<vmem>>)
      %mul3A_139 = arith.constant 10000 : i32
      %mul3A_140 = arith.muli %add3A_65, %mul3A_139 : i32
      %scan3A_141 = arith.constant 0 : i32
      %scan3A_142 = arith.constant 0 : i32
      %scan3A_143 = arith.constant 4 : i32
      %scan3A_144 = arith.addi %scan3A_142, %scan3A_143 : i32
      %scan3A_145 = arith.constant 1 : i32
      %scan3A_146 = scf.for %scan3A_156 = %scan3A_142 to %scan3A_144 step %scan3A_145 iter_args(%scan3A_157 = %scan3A_141) -> (i32)  : i32 {
        %mul3A_158 = arith.constant 16 : i32
        %mul3A_159 = arith.muli %scan3A_156, %mul3A_158 : i32
        %get3A = arith.index_cast %mul3A_159 : i32 to index
        %get3A_160 = tpu.vector_load %arg12[%get3A] {strides = array<i32>} : memref<64xi32, #tpu.memory_space<vmem>>, vector<16xi32>,
        %sub3A = vector.broadcast %mul3A_140 : i32 to vector<16xi32>
        %sub3A_161 = arith.subi %get3A_160, %sub3A : vector<16xi32>
        %mul3A_162 = arith.constant 16 : i32
        %mul3A_163 = arith.muli %scan3A_156, %mul3A_162 : i32
        %get3A_164 = arith.index_cast %mul3A_163 : i32 to index
        %get3A_165 = tpu.vector_load %arg13[%get3A_164] {strides = array<i32>} : memref<64xi32, #tpu.memory_space<vmem>>, vector<16xi32>,
        %gather3A = tpu.vector_load_idx %arg10[%sub3A_161] : memref<10016xf32, #tpu.memory_space<vmem>>[vector<16xi32>], vector<16xf32>,
        %gather3A_166 = tpu.vector_load_idx %arg11[%get3A_165] : memref<10016xf32, #tpu.memory_space<vmem>>[vector<16xi32>], vector<16xf32>,
        %add3A_167 = arith.addf %gather3A, %gather3A_166 : vector<16xf32>
        %ge3A = arith.constant 0.000000e+00 : f32
        %ge3A_168 = vector.broadcast %ge3A : f32 to vector<16xf32>
        %ge3A_169 = arith.cmpf oge, %add3A_167, %ge3A_168 : vector<16xf32>
        %mul3A_170 = arith.constant 2.000000e-01 : f32
        %mul3A_171 = vector.broadcast %mul3A_170 : f32 to vector<16xf32>
        %mul3A_172 = arith.mulf %mul3A_171, %add3A_167 : vector<16xf32>
        %select_n3A = arith.select %ge3A_169, %add3A_167, %mul3A_172 : vector<16xi1>, vector<16xf32>
        %exp3A = math.exp %select_n3A : vector<16xf32>
        %mul3A_173 = arith.constant 16 : i32
        %mul3A_174 = arith.muli %scan3A_156, %mul3A_173 : i32
        %swap3A_175 = arith.index_cast %mul3A_174 : i32 to index
        %swap3A_176 = tpu.vector_load %arg15[%swap3A_175] {strides = array<i32>} : memref<64xf32, #tpu.memory_space<vmem>>, vector<16xf32>,
        tpu.vector_store %arg15[%swap3A_175], %exp3A {strides = array<i32>} : memref<64xf32, #tpu.memory_space<vmem>>, vector<16xf32>,
        %scan3A_177 = arith.constant 0 : i32
        scf.yield %scan3A_177 : i32
      }
      %scan3A_147 = arith.constant 4 : i32
      %scan3A_148 = arith.constant 0 : i32
      %scan3A_149 = arith.constant 0 : i32
      %scan3A_150 = arith.constant 64 : i32
      %scan3A_151 = arith.addi %scan3A_149, %scan3A_150 : i32
      %scan3A_152 = arith.constant 1 : i32
      %scan3A_153 = scf.for %scan3A_156 = %scan3A_149 to %scan3A_151 step %scan3A_152 iter_args(%scan3A_157 = %scan3A_148) -> (i32)  : i32 {
        %broadcast_in_dim3A_158 = vector.broadcast %scan3A_156 : i32 to vector<16xi32>
        %gather3A = tpu.vector_load_idx %arg15[%broadcast_in_dim3A_158] : memref<64xf32, #tpu.memory_space<vmem>>[vector<16xi32>], vector<16xf32>,
        %get3A = arith.index_cast %scan3A_156 : i32 to index
        %get3A_159 = arith.constant 0 : index
        %get3A_160 = tpu.vector_load %arg14[%get3A, %get3A_159] {strides = array<i32>} : memref<64x128xf32, #tpu.memory_space<vmem>>, vector<16xf32>,
        %mul3A_161 = arith.mulf %get3A_160, %gather3A : vector<16xf32>
        %swap3A_162 = arith.index_cast %scan3A_156 : i32 to index
        %swap3A_163 = arith.constant 0 : index
        %swap3A_164 = tpu.vector_load %arg14[%swap3A_162, %swap3A_163] {strides = array<i32>} : memref<64x128xf32, #tpu.memory_space<vmem>>, vector<16xf32>,
        tpu.vector_store %arg14[%swap3A_162, %swap3A_163], %mul3A_161 {strides = array<i32>} : memref<64x128xf32, #tpu.memory_space<vmem>>, vector<16xf32>,
        %get3A_165 = arith.index_cast %scan3A_156 : i32 to index
        %get3A_166 = arith.constant 16 : index
        %get3A_167 = tpu.vector_load %arg14[%get3A_165, %get3A_166] {strides = array<i32>} : memref<64x128xf32, #tpu.memory_space<vmem>>, vector<16xf32>,
        %mul3A_168 = arith.mulf %get3A_167, %gather3A : vector<16xf32>
        %swap3A_169 = arith.index_cast %scan3A_156 : i32 to index
        %swap3A_170 = arith.constant 16 : index
        %swap3A_171 = tpu.vector_load %arg14[%swap3A_169, %swap3A_170] {strides = array<i32>} : memref<64x128xf32, #tpu.memory_space<vmem>>, vector<16xf32>,
        tpu.vector_store %arg14[%swap3A_169, %swap3A_170], %mul3A_168 {strides = array<i32>} : memref<64x128xf32, #tpu.memory_space<vmem>>, vector<16xf32>,
        %get3A_172 = arith.index_cast %scan3A_156 : i32 to index
        %get3A_173 = arith.constant 32 : index
        %get3A_174 = tpu.vector_load %arg14[%get3A_172, %get3A_173] {strides = array<i32>} : memref<64x128xf32, #tpu.memory_space<vmem>>, vector<16xf32>,
        %mul3A_175 = arith.mulf %get3A_174, %gather3A : vector<16xf32>
        %swap3A_176 = arith.index_cast %scan3A_156 : i32 to index
        %swap3A_177 = arith.constant 32 : index
        %swap3A_178 = tpu.vector_load %arg14[%swap3A_176, %swap3A_177] {strides = array<i32>} : memref<64x128xf32, #tpu.memory_space<vmem>>, vector<16xf32>,
        tpu.vector_store %arg14[%swap3A_176, %swap3A_177], %mul3A_175 {strides = array<i32>} : memref<64x128xf32, #tpu.memory_space<vmem>>, vector<16xf32>,
        %get3A_179 = arith.index_cast %scan3A_156 : i32 to index
        %get3A_180 = arith.constant 48 : index
        %get3A_181 = tpu.vector_load %arg14[%get3A_179, %get3A_180] {strides = array<i32>} : memref<64x128xf32, #tpu.memory_space<vmem>>, vector<16xf32>,
        %mul3A_182 = arith.mulf %get3A_181, %gather3A : vector<16xf32>
        %swap3A_183 = arith.index_cast %scan3A_156 : i32 to index
        %swap3A_184 = arith.constant 48 : index
        %swap3A_185 = tpu.vector_load %arg14[%swap3A_183, %swap3A_184] {strides = array<i32>} : memref<64x128xf32, #tpu.memory_space<vmem>>, vector<16xf32>,
        tpu.vector_store %arg14[%swap3A_183, %swap3A_184], %mul3A_182 {strides = array<i32>} : memref<64x128xf32, #tpu.memory_space<vmem>>, vector<16xf32>,
        %get3A_186 = arith.index_cast %scan3A_156 : i32 to index
        %get3A_187 = arith.constant 64 : index
        %get3A_188 = tpu.vector_load %arg14[%get3A_186, %get3A_187] {strides = array<i32>} : memref<64x128xf32, #tpu.memory_space<vmem>>, vector<16xf32>,
        %mul3A_189 = arith.mulf %get3A_188, %gather3A : vector<16xf32>
        %swap3A_190 = arith.index_cast %scan3A_156 : i32 to index
        %swap3A_191 = arith.constant 64 : index
        %swap3A_192 = tpu.vector_load %arg14[%swap3A_190, %swap3A_191] {strides = array<i32>} : memref<64x128xf32, #tpu.memory_space<vmem>>, vector<16xf32>,
        tpu.vector_store %arg14[%swap3A_190, %swap3A_191], %mul3A_189 {strides = array<i32>} : memref<64x128xf32, #tpu.memory_space<vmem>>, vector<16xf32>,
        %get3A_193 = arith.index_cast %scan3A_156 : i32 to index
        %get3A_194 = arith.constant 80 : index
        %get3A_195 = tpu.vector_load %arg14[%get3A_193, %get3A_194] {strides = array<i32>} : memref<64x128xf32, #tpu.memory_space<vmem>>, vector<16xf32>,
        %mul3A_196 = arith.mulf %get3A_195, %gather3A : vector<16xf32>
        %swap3A_197 = arith.index_cast %scan3A_156 : i32 to index
        %swap3A_198 = arith.constant 80 : index
        %swap3A_199 = tpu.vector_load %arg14[%swap3A_197, %swap3A_198] {strides = array<i32>} : memref<64x128xf32, #tpu.memory_space<vmem>>, vector<16xf32>,
        tpu.vector_store %arg14[%swap3A_197, %swap3A_198], %mul3A_196 {strides = array<i32>} : memref<64x128xf32, #tpu.memory_space<vmem>>, vector<16xf32>,
        %get3A_200 = arith.index_cast %scan3A_156 : i32 to index
        %get3A_201 = arith.constant 96 : index
        %get3A_202 = tpu.vector_load %arg14[%get3A_200, %get3A_201] {strides = array<i32>} : memref<64x128xf32, #tpu.memory_space<vmem>>, vector<16xf32>,
        %mul3A_203 = arith.mulf %get3A_202, %gather3A : vector<16xf32>
        %swap3A_204 = arith.index_cast %scan3A_156 : i32 to index
        %swap3A_205 = arith.constant 96 : index
        %swap3A_206 = tpu.vector_load %arg14[%swap3A_204, %swap3A_205] {strides = array<i32>} : memref<64x128xf32, #tpu.memory_space<vmem>>, vector<16xf32>,
        tpu.vector_store %arg14[%swap3A_204, %swap3A_205], %mul3A_203 {strides = array<i32>} : memref<64x128xf32, #tpu.memory_space<vmem>>, vector<16xf32>,
        %get3A_207 = arith.index_cast %scan3A_156 : i32 to index
        %get3A_208 = arith.constant 112 : index
        %get3A_209 = tpu.vector_load %arg14[%get3A_207, %get3A_208] {strides = array<i32>} : memref<64x128xf32, #tpu.memory_space<vmem>>, vector<16xf32>,
        %mul3A_210 = arith.mulf %get3A_209, %gather3A : vector<16xf32>
        %swap3A_211 = arith.index_cast %scan3A_156 : i32 to index
        %swap3A_212 = arith.constant 112 : index
        %swap3A_213 = tpu.vector_load %arg14[%swap3A_211, %swap3A_212] {strides = array<i32>} : memref<64x128xf32, #tpu.memory_space<vmem>>, vector<16xf32>,
        tpu.vector_store %arg14[%swap3A_211, %swap3A_212], %mul3A_210 {strides = array<i32>} : memref<64x128xf32, #tpu.memory_space<vmem>>, vector<16xf32>,
        %scan3A_214 = arith.constant 0 : i32
        scf.yield %scan3A_214 : i32
      }
      %scan3A_154 = arith.constant 64 : i32
      "tpu.region"() ({
        %run_scoped3A = tpu.sem_alloc : memref<!tpu.dma_semaphore, #tpu.memory_space<semaphore_mem>>
        %dma_start3A_156 = arith.constant 0 : i32
        %dma_start3A_157 = arith.constant 0 : i32
        %dma_start3A_158 = tpu.memref_slice %arg8[%dma_start3A_156, %dma_start3A_157] : memref<10240x128xf32, #tpu.memory_space<vmem_shared>> -> memref<10240x128xf32, #tpu.memory_space<vmem_shared>>
        tpu.enqueue_indirect_dma source(%arg14 : memref<64x128xf32, #tpu.memory_space<vmem>>) target(%dma_start3A_158 : memref<10240x128xf32, #tpu.memory_space<vmem_shared>>) offsets(%arg13 : memref<64xi32, #tpu.memory_space<vmem>>) semaphore(%run_scoped3A : memref<!tpu.dma_semaphore, #tpu.memory_space<semaphore_mem>>) {add = true}
        %dma_wait3A_159 = arith.constant 0 : i32
        %dma_wait3A_160 = arith.constant 0 : i32
        %dma_wait3A_161 = tpu.memref_slice %arg8[%dma_wait3A_159, %dma_wait3A_160] : memref<10240x128xf32, #tpu.memory_space<vmem_shared>> -> memref<10240x128xf32, #tpu.memory_space<vmem_shared>>
        tpu.wait_indirect_dma semaphore(%run_scoped3A : memref<!tpu.dma_semaphore, #tpu.memory_space<semaphore_mem>>) src(%arg14 : memref<64x128xf32, #tpu.memory_space<vmem>>) dst(%dma_wait3A_161 : memref<10240x128xf32, #tpu.memory_space<vmem_shared>>)
        tpu.yield
      }) : () -> ()
      "tpu.region"() ({
        %run_scoped3A = tpu.sem_alloc : memref<!tpu.dma_semaphore, #tpu.memory_space<semaphore_mem>>
        %dma_start3A_156 = arith.constant 0 : i32
        %dma_start3A_157 = tpu.memref_slice %arg9[%dma_start3A_156] : memref<10240xf32, #tpu.memory_space<vmem_shared>> -> memref<10240xf32, #tpu.memory_space<vmem_shared>>
        tpu.enqueue_indirect_dma source(%arg15 : memref<64xf32, #tpu.memory_space<vmem>>) target(%dma_start3A_157 : memref<10240xf32, #tpu.memory_space<vmem_shared>>) offsets(%arg13 : memref<64xi32, #tpu.memory_space<vmem>>) semaphore(%run_scoped3A : memref<!tpu.dma_semaphore, #tpu.memory_space<semaphore_mem>>) {add = true}
        %dma_wait3A_158 = arith.constant 0 : i32
        %dma_wait3A_159 = tpu.memref_slice %arg9[%dma_wait3A_158] : memref<10240xf32, #tpu.memory_space<vmem_shared>> -> memref<10240xf32, #tpu.memory_space<vmem_shared>>
        tpu.wait_indirect_dma semaphore(%run_scoped3A : memref<!tpu.dma_semaphore, #tpu.memory_space<semaphore_mem>>) src(%arg15 : memref<64xf32, #tpu.memory_space<vmem>>) dst(%dma_wait3A_159 : memref<10240xf32, #tpu.memory_space<vmem_shared>>)
        tpu.yield
      }) : () -> ()
      %scan3A_155 = arith.constant 0 : i32
      scf.yield %scan3A_155 : i32
    }
    %scan3A_120 = arith.constant 323 : i32
    %barrier3A_121 = arith.constant 0 : index
    tpu.barrier barrier_id(%barrier3A_121)
    %scan3A_122 = arith.constant 0 : i32
    %scan3A_123 = arith.constant 0 : i32
    %scan3A_124 = arith.constant 10 : i32
    %scan3A_125 = arith.addi %scan3A_123, %scan3A_124 : i32
    %scan3A_126 = arith.constant 1 : i32
    %scan3A_127 = scf.for %scan3A_130 = %scan3A_123 to %scan3A_125 step %scan3A_126 iter_args(%scan3A_131 = %scan3A_122) -> (i32)  : i32 {
      %mul3A_132 = arith.constant 640 : i32
      %mul3A_133 = arith.muli %arg1, %mul3A_132 : i32
      %mul3A_134 = arith.constant 64 : i32
      %mul3A_135 = arith.muli %scan3A_130, %mul3A_134 : i32
      %add3A_136 = arith.addi %mul3A_133, %mul3A_135 : i32
      %multiple_of3A = tpu.assume_multiple %add3A_136, 64 : i32
      "tpu.region"() ({
        %run_scoped3A = tpu.sem_alloc : memref<!tpu.dma_semaphore, #tpu.memory_space<semaphore_mem>>
        %dma_start3A = arith.constant 0 : i32
        %dma_start3A_148 = tpu.memref_slice %arg8[%multiple_of3A, %dma_start3A] : memref<10240x128xf32, #tpu.memory_space<vmem_shared>> -> memref<64x128xf32, #tpu.memory_space<vmem_shared>>
        %dma_start3A_149 = arith.constant 0 : i32
        %dma_start3A_150 = tpu.memref_slice %arg8[%multiple_of3A, %dma_start3A_149] : memref<10240x128xf32, #tpu.memory_space<vmem_shared>> -> memref<64x128xf32, #tpu.memory_space<vmem_shared>>
        tpu.enqueue_dma source(%dma_start3A_150 : memref<64x128xf32, #tpu.memory_space<vmem_shared>>) target(%arg14 : memref<64x128xf32, #tpu.memory_space<vmem>>) target_semaphore(%run_scoped3A : memref<!tpu.dma_semaphore, #tpu.memory_space<semaphore_mem>>)
        %dma_wait3A = arith.constant 0 : i32
        %dma_wait3A_151 = tpu.memref_slice %arg8[%multiple_of3A, %dma_wait3A] : memref<10240x128xf32, #tpu.memory_space<vmem_shared>> -> memref<64x128xf32, #tpu.memory_space<vmem_shared>>
        %dma_wait3A_152 = arith.constant 0 : i32
        %dma_wait3A_153 = tpu.memref_slice %arg8[%multiple_of3A, %dma_wait3A_152] : memref<10240x128xf32, #tpu.memory_space<vmem_shared>> -> memref<64x128xf32, #tpu.memory_space<vmem_shared>>
        tpu.wait_dma2 semaphore(%run_scoped3A : memref<!tpu.dma_semaphore, #tpu.memory_space<semaphore_mem>>) src(%dma_wait3A_153 : memref<64x128xf32, #tpu.memory_space<vmem_shared>>) dst(%arg14 : memref<64x128xf32, #tpu.memory_space<vmem>>)
        tpu.yield
      }) : () -> ()
      "tpu.region"() ({
        %run_scoped3A = tpu.sem_alloc : memref<!tpu.dma_semaphore, #tpu.memory_space<semaphore_mem>>
        %dma_start3A = tpu.memref_slice %arg9[%multiple_of3A] : memref<10240xf32, #tpu.memory_space<vmem_shared>> -> memref<64xf32, #tpu.memory_space<vmem_shared>>
        %dma_start3A_148 = tpu.memref_slice %arg9[%multiple_of3A] : memref<10240xf32, #tpu.memory_space<vmem_shared>> -> memref<64xf32, #tpu.memory_space<vmem_shared>>
        tpu.enqueue_dma source(%dma_start3A_148 : memref<64xf32, #tpu.memory_space<vmem_shared>>) target(%arg15 : memref<64xf32, #tpu.memory_space<vmem>>) target_semaphore(%run_scoped3A : memref<!tpu.dma_semaphore, #tpu.memory_space<semaphore_mem>>)
        %dma_wait3A = tpu.memref_slice %arg9[%multiple_of3A] : memref<10240xf32, #tpu.memory_space<vmem_shared>> -> memref<64xf32, #tpu.memory_space<vmem_shared>>
        %dma_wait3A_149 = tpu.memref_slice %arg9[%multiple_of3A] : memref<10240xf32, #tpu.memory_space<vmem_shared>> -> memref<64xf32, #tpu.memory_space<vmem_shared>>
        tpu.wait_dma2 semaphore(%run_scoped3A : memref<!tpu.dma_semaphore, #tpu.memory_space<semaphore_mem>>) src(%dma_wait3A_149 : memref<64xf32, #tpu.memory_space<vmem_shared>>) dst(%arg15 : memref<64xf32, #tpu.memory_space<vmem>>)
        tpu.yield
      }) : () -> ()
      %scan3A_137 = arith.constant 0 : i32
      %scan3A_138 = arith.constant 0 : i32
      %scan3A_139 = arith.constant 64 : i32
      %scan3A_140 = arith.addi %scan3A_138, %scan3A_139 : i32
      %scan3A_141 = arith.constant 1 : i32
      %scan3A_142 = scf.for %scan3A_148 = %scan3A_138 to %scan3A_140 step %scan3A_141 iter_args(%scan3A_149 = %scan3A_137) -> (i32)  : i32 {
        %broadcast_in_dim3A_150 = vector.broadcast %scan3A_148 : i32 to vector<16xi32>
        %gather3A = tpu.vector_load_idx %arg15[%broadcast_in_dim3A_150] : memref<64xf32, #tpu.memory_space<vmem>>[vector<16xi32>], vector<16xf32>,
        %add3A_151 = arith.constant 1.000000e-16 : f32
        %add3A_152 = vector.broadcast %add3A_151 : f32 to vector<16xf32>
        %add3A_153 = arith.addf %gather3A, %add3A_152 : vector<16xf32>
        %div3A = arith.constant 1.000000e+00 : f32
        %div3A_154 = vector.broadcast %div3A : f32 to vector<16xf32>
        %div3A_155 = arith.divf %div3A_154, %add3A_153 : vector<16xf32>
        %get3A = arith.index_cast %scan3A_148 : i32 to index
        %get3A_156 = arith.constant 0 : index
        %get3A_157 = tpu.vector_load %arg14[%get3A, %get3A_156] {strides = array<i32>} : memref<64x128xf32, #tpu.memory_space<vmem>>, vector<16xf32>,
        %mul3A_158 = arith.mulf %get3A_157, %div3A_155 : vector<16xf32>
        %get3A_159 = arith.constant 0 : index
        %get3A_160 = tpu.vector_load %arg16[%get3A_159] {strides = array<i32>} : memref<128xf32, #tpu.memory_space<vmem>>, vector<16xf32>,
        %add3A_161 = arith.addf %mul3A_158, %get3A_160 : vector<16xf32>
        %swap3A_162 = arith.index_cast %scan3A_148 : i32 to index
        %swap3A_163 = arith.constant 0 : index
        %swap3A_164 = tpu.vector_load %arg14[%swap3A_162, %swap3A_163] {strides = array<i32>} : memref<64x128xf32, #tpu.memory_space<vmem>>, vector<16xf32>,
        tpu.vector_store %arg14[%swap3A_162, %swap3A_163], %add3A_161 {strides = array<i32>} : memref<64x128xf32, #tpu.memory_space<vmem>>, vector<16xf32>,
        %get3A_165 = arith.index_cast %scan3A_148 : i32 to index
        %get3A_166 = arith.constant 16 : index
        %get3A_167 = tpu.vector_load %arg14[%get3A_165, %get3A_166] {strides = array<i32>} : memref<64x128xf32, #tpu.memory_space<vmem>>, vector<16xf32>,
        %mul3A_168 = arith.mulf %get3A_167, %div3A_155 : vector<16xf32>
        %get3A_169 = arith.constant 16 : index
        %get3A_170 = tpu.vector_load %arg16[%get3A_169] {strides = array<i32>} : memref<128xf32, #tpu.memory_space<vmem>>, vector<16xf32>,
        %add3A_171 = arith.addf %mul3A_168, %get3A_170 : vector<16xf32>
        %swap3A_172 = arith.index_cast %scan3A_148 : i32 to index
        %swap3A_173 = arith.constant 16 : index
        %swap3A_174 = tpu.vector_load %arg14[%swap3A_172, %swap3A_173] {strides = array<i32>} : memref<64x128xf32, #tpu.memory_space<vmem>>, vector<16xf32>,
        tpu.vector_store %arg14[%swap3A_172, %swap3A_173], %add3A_171 {strides = array<i32>} : memref<64x128xf32, #tpu.memory_space<vmem>>, vector<16xf32>,
        %get3A_175 = arith.index_cast %scan3A_148 : i32 to index
        %get3A_176 = arith.constant 32 : index
        %get3A_177 = tpu.vector_load %arg14[%get3A_175, %get3A_176] {strides = array<i32>} : memref<64x128xf32, #tpu.memory_space<vmem>>, vector<16xf32>,
        %mul3A_178 = arith.mulf %get3A_177, %div3A_155 : vector<16xf32>
        %get3A_179 = arith.constant 32 : index
        %get3A_180 = tpu.vector_load %arg16[%get3A_179] {strides = array<i32>} : memref<128xf32, #tpu.memory_space<vmem>>, vector<16xf32>,
        %add3A_181 = arith.addf %mul3A_178, %get3A_180 : vector<16xf32>
        %swap3A_182 = arith.index_cast %scan3A_148 : i32 to index
        %swap3A_183 = arith.constant 32 : index
        %swap3A_184 = tpu.vector_load %arg14[%swap3A_182, %swap3A_183] {strides = array<i32>} : memref<64x128xf32, #tpu.memory_space<vmem>>, vector<16xf32>,
        tpu.vector_store %arg14[%swap3A_182, %swap3A_183], %add3A_181 {strides = array<i32>} : memref<64x128xf32, #tpu.memory_space<vmem>>, vector<16xf32>,
        %get3A_185 = arith.index_cast %scan3A_148 : i32 to index
        %get3A_186 = arith.constant 48 : index
        %get3A_187 = tpu.vector_load %arg14[%get3A_185, %get3A_186] {strides = array<i32>} : memref<64x128xf32, #tpu.memory_space<vmem>>, vector<16xf32>,
        %mul3A_188 = arith.mulf %get3A_187, %div3A_155 : vector<16xf32>
        %get3A_189 = arith.constant 48 : index
        %get3A_190 = tpu.vector_load %arg16[%get3A_189] {strides = array<i32>} : memref<128xf32, #tpu.memory_space<vmem>>, vector<16xf32>,
        %add3A_191 = arith.addf %mul3A_188, %get3A_190 : vector<16xf32>
        %swap3A_192 = arith.index_cast %scan3A_148 : i32 to index
        %swap3A_193 = arith.constant 48 : index
        %swap3A_194 = tpu.vector_load %arg14[%swap3A_192, %swap3A_193] {strides = array<i32>} : memref<64x128xf32, #tpu.memory_space<vmem>>, vector<16xf32>,
        tpu.vector_store %arg14[%swap3A_192, %swap3A_193], %add3A_191 {strides = array<i32>} : memref<64x128xf32, #tpu.memory_space<vmem>>, vector<16xf32>,
        %get3A_195 = arith.index_cast %scan3A_148 : i32 to index
        %get3A_196 = arith.constant 64 : index
        %get3A_197 = tpu.vector_load %arg14[%get3A_195, %get3A_196] {strides = array<i32>} : memref<64x128xf32, #tpu.memory_space<vmem>>, vector<16xf32>,
        %mul3A_198 = arith.mulf %get3A_197, %div3A_155 : vector<16xf32>
        %get3A_199 = arith.constant 64 : index
        %get3A_200 = tpu.vector_load %arg16[%get3A_199] {strides = array<i32>} : memref<128xf32, #tpu.memory_space<vmem>>, vector<16xf32>,
        %add3A_201 = arith.addf %mul3A_198, %get3A_200 : vector<16xf32>
        %swap3A_202 = arith.index_cast %scan3A_148 : i32 to index
        %swap3A_203 = arith.constant 64 : index
        %swap3A_204 = tpu.vector_load %arg14[%swap3A_202, %swap3A_203] {strides = array<i32>} : memref<64x128xf32, #tpu.memory_space<vmem>>, vector<16xf32>,
        tpu.vector_store %arg14[%swap3A_202, %swap3A_203], %add3A_201 {strides = array<i32>} : memref<64x128xf32, #tpu.memory_space<vmem>>, vector<16xf32>,
        %get3A_205 = arith.index_cast %scan3A_148 : i32 to index
        %get3A_206 = arith.constant 80 : index
        %get3A_207 = tpu.vector_load %arg14[%get3A_205, %get3A_206] {strides = array<i32>} : memref<64x128xf32, #tpu.memory_space<vmem>>, vector<16xf32>,
        %mul3A_208 = arith.mulf %get3A_207, %div3A_155 : vector<16xf32>
        %get3A_209 = arith.constant 80 : index
        %get3A_210 = tpu.vector_load %arg16[%get3A_209] {strides = array<i32>} : memref<128xf32, #tpu.memory_space<vmem>>, vector<16xf32>,
        %add3A_211 = arith.addf %mul3A_208, %get3A_210 : vector<16xf32>
        %swap3A_212 = arith.index_cast %scan3A_148 : i32 to index
        %swap3A_213 = arith.constant 80 : index
        %swap3A_214 = tpu.vector_load %arg14[%swap3A_212, %swap3A_213] {strides = array<i32>} : memref<64x128xf32, #tpu.memory_space<vmem>>, vector<16xf32>,
        tpu.vector_store %arg14[%swap3A_212, %swap3A_213], %add3A_211 {strides = array<i32>} : memref<64x128xf32, #tpu.memory_space<vmem>>, vector<16xf32>,
        %get3A_215 = arith.index_cast %scan3A_148 : i32 to index
        %get3A_216 = arith.constant 96 : index
        %get3A_217 = tpu.vector_load %arg14[%get3A_215, %get3A_216] {strides = array<i32>} : memref<64x128xf32, #tpu.memory_space<vmem>>, vector<16xf32>,
        %mul3A_218 = arith.mulf %get3A_217, %div3A_155 : vector<16xf32>
        %get3A_219 = arith.constant 96 : index
        %get3A_220 = tpu.vector_load %arg16[%get3A_219] {strides = array<i32>} : memref<128xf32, #tpu.memory_space<vmem>>, vector<16xf32>,
        %add3A_221 = arith.addf %mul3A_218, %get3A_220 : vector<16xf32>
        %swap3A_222 = arith.index_cast %scan3A_148 : i32 to index
        %swap3A_223 = arith.constant 96 : index
        %swap3A_224 = tpu.vector_load %arg14[%swap3A_222, %swap3A_223] {strides = array<i32>} : memref<64x128xf32, #tpu.memory_space<vmem>>, vector<16xf32>,
        tpu.vector_store %arg14[%swap3A_222, %swap3A_223], %add3A_221 {strides = array<i32>} : memref<64x128xf32, #tpu.memory_space<vmem>>, vector<16xf32>,
        %get3A_225 = arith.index_cast %scan3A_148 : i32 to index
        %get3A_226 = arith.constant 112 : index
        %get3A_227 = tpu.vector_load %arg14[%get3A_225, %get3A_226] {strides = array<i32>} : memref<64x128xf32, #tpu.memory_space<vmem>>, vector<16xf32>,
        %mul3A_228 = arith.mulf %get3A_227, %div3A_155 : vector<16xf32>
        %get3A_229 = arith.constant 112 : index
        %get3A_230 = tpu.vector_load %arg16[%get3A_229] {strides = array<i32>} : memref<128xf32, #tpu.memory_space<vmem>>, vector<16xf32>,
        %add3A_231 = arith.addf %mul3A_228, %get3A_230 : vector<16xf32>
        %swap3A_232 = arith.index_cast %scan3A_148 : i32 to index
        %swap3A_233 = arith.constant 112 : index
        %swap3A_234 = tpu.vector_load %arg14[%swap3A_232, %swap3A_233] {strides = array<i32>} : memref<64x128xf32, #tpu.memory_space<vmem>>, vector<16xf32>,
        tpu.vector_store %arg14[%swap3A_232, %swap3A_233], %add3A_231 {strides = array<i32>} : memref<64x128xf32, #tpu.memory_space<vmem>>, vector<16xf32>,
        %scan3A_235 = arith.constant 0 : i32
        scf.yield %scan3A_235 : i32
      }
      %scan3A_143 = arith.constant 64 : i32
      %mul3A_144 = arith.constant 10240 : i32
      %mul3A_145 = arith.muli %add3A_65, %mul3A_144 : i32
      %add3A_146 = arith.addi %mul3A_145, %multiple_of3A : i32
      "tpu.region"() ({
        %run_scoped3A = tpu.sem_alloc : memref<!tpu.dma_semaphore, #tpu.memory_space<semaphore_mem>>
        %dma_start3A = arith.constant 0 : i32
        %dma_start3A_148 = tpu.memref_slice %arg7[%add3A_146, %dma_start3A] : memref<40960x128xf32, #tpu.memory_space<hbm>> -> memref<64x128xf32, #tpu.memory_space<hbm>>
        %dma_start3A_149 = arith.constant 0 : i32
        %dma_start3A_150 = tpu.memref_slice %arg7[%add3A_146, %dma_start3A_149] : memref<40960x128xf32, #tpu.memory_space<hbm>> -> memref<64x128xf32, #tpu.memory_space<hbm>>
        tpu.enqueue_dma source(%arg14 : memref<64x128xf32, #tpu.memory_space<vmem>>) target(%dma_start3A_150 : memref<64x128xf32, #tpu.memory_space<hbm>>) target_semaphore(%run_scoped3A : memref<!tpu.dma_semaphore, #tpu.memory_space<semaphore_mem>>)
        %dma_wait3A = arith.constant 0 : i32
        %dma_wait3A_151 = tpu.memref_slice %arg7[%add3A_146, %dma_wait3A] : memref<40960x128xf32, #tpu.memory_space<hbm>> -> memref<64x128xf32, #tpu.memory_space<hbm>>
        %dma_wait3A_152 = arith.constant 0 : i32
        %dma_wait3A_153 = tpu.memref_slice %arg7[%add3A_146, %dma_wait3A_152] : memref<40960x128xf32, #tpu.memory_space<hbm>> -> memref<64x128xf32, #tpu.memory_space<hbm>>
        tpu.wait_dma2 semaphore(%run_scoped3A : memref<!tpu.dma_semaphore, #tpu.memory_space<semaphore_mem>>) src(%arg14 : memref<64x128xf32, #tpu.memory_space<vmem>>) dst(%dma_wait3A_153 : memref<64x128xf32, #tpu.memory_space<hbm>>)
        tpu.yield
      }) : () -> ()
      %scan3A_147 = arith.constant 0 : i32
      scf.yield %scan3A_147 : i32
    }
    %scan3A_128 = arith.constant 10 : i32
    %barrier3A_129 = arith.constant 0 : index
    tpu.barrier barrier_id(%barrier3A_129)
    return
  }
}

module attributes {stable_mosaic.version = 14 : i64} {
  func.func @_proj_body(%arg0: i32, %arg1: memref<10000x128xf32, #tpu.memory_space<vmem>>, %arg2: memref<1x128x128xf32, #tpu.memory_space<vmem>>, %arg3: memref<4x128x128xf32, #tpu.memory_space<vmem>>, %arg4: memref<4x128xf32, #tpu.memory_space<vmem>>, %arg5: memref<4x128xf32, #tpu.memory_space<vmem>>, %arg6: memref<1x10000x128xf32, #tpu.memory_space<vmem>>, %arg7: memref<8x10016xf32, #tpu.memory_space<vmem>>) attributes {dimension_semantics = [#tpu.dimension_semantics<arbitrary>], iteration_bounds = array<i64: 4>, scalar_prefetch = 0 : i64, scratch_operands = 0 : i64, tpu.core_type = #tpu.core_type<tc>, window_params = [{pipeline_mode = #tpu.pipeline_mode<synchronous>, transform_indices = @transform_0, window_bounds = array<i64: 10000, 128>}, {transform_indices = @transform_1, window_bounds = array<i64: 1, 128, 128>}, {pipeline_mode = #tpu.pipeline_mode<synchronous>, transform_indices = @transform_2, window_bounds = array<i64: 4, 128, 128>}, {pipeline_mode = #tpu.pipeline_mode<synchronous>, transform_indices = @transform_3, window_bounds = array<i64: 4, 128>}, {pipeline_mode = #tpu.pipeline_mode<synchronous>, transform_indices = @transform_4, window_bounds = array<i64: 4, 128>}, {transform_indices = @transform_5, window_bounds = array<i64: 1, 10000, 128>}, {pipeline_mode = #tpu.pipeline_mode<synchronous>, transform_indices = @transform_6, window_bounds = array<i64: 8, 10016>}]} {
    %get3A = arith.constant 0 : index
    %get3A_0 = arith.constant 0 : index
    %get3A_1 = vector.load %arg1[%get3A, %get3A_0] : memref<10000x128xf32, #tpu.memory_space<vmem>>, vector<10000x128xf32>
    %get3A_2 = arith.constant 0 : index
    %get3A_3 = arith.constant 0 : index
    %get3A_4 = arith.constant 0 : index
    %get3A_5 = vector.load %arg2[%get3A_2, %get3A_3, %get3A_4] : memref<1x128x128xf32, #tpu.memory_space<vmem>>, vector<1x128x128xf32>
    %get3A_6 = vector.shape_cast %get3A_5 : vector<1x128x128xf32> to vector<128x128xf32>
    %dot_general3A = arith.constant dense<0.000000e+00> : vector<10000x128xf32>
    %dot_general3A_7 = tpu.matmul %get3A_1, %get3A_6, %dot_general3A {dimension_numbers = #tpu.dot_dimension_numbers<[1], [0], [0], [1], [0, 0, 1, 1], [], []>, transpose_lhs_hint = false} : vector<10000x128xf32>, vector<128x128xf32>, vector<10000x128xf32> -> vector<10000x128xf32>
    %swap3A = arith.constant 0 : index
    %swap3A_8 = arith.constant 0 : index
    %swap3A_9 = arith.constant 0 : index
    %swap3A_10 = vector.load %arg6[%swap3A, %swap3A_8, %swap3A_9] : memref<1x10000x128xf32, #tpu.memory_space<vmem>>, vector<1x10000x128xf32>
    %swap3A_11 = vector.shape_cast %swap3A_10 : vector<1x10000x128xf32> to vector<10000x128xf32>
    %swap3A_12 = vector.shape_cast %dot_general3A_7 : vector<10000x128xf32> to vector<1x10000x128xf32>
    tpu.vector_store %arg6[%swap3A, %swap3A_8, %swap3A_9], %swap3A_12 {strides = array<i32>} : memref<1x10000x128xf32, #tpu.memory_space<vmem>>, vector<1x10000x128xf32>,
    %eq3A = arith.constant 0 : i32
    %eq3A_13 = arith.cmpi eq, %arg0, %eq3A : i32
    %convert_element_type3A = arith.extui %eq3A_13 : i1 to i32
    %cond3A = arith.constant 0 : i32
    %cond3A_14 = arith.cmpi ne, %convert_element_type3A, %cond3A : i32
    scf.if %cond3A_14 {
      %get3A_15 = arith.constant 0 : index
      %get3A_16 = arith.constant 0 : index
      %get3A_17 = arith.constant 0 : index
      %get3A_18 = vector.load %arg3[%get3A_15, %get3A_16, %get3A_17] : memref<4x128x128xf32, #tpu.memory_space<vmem>>, vector<4x128x128xf32>
      %slice3A = vector.extract_strided_slice %get3A_18 {offsets = [0, 0, 0], sizes = [1, 128, 128], strides = [1, 1, 1]} : vector<4x128x128xf32> to vector<1x128x128xf32>
      %squeeze3A = vector.shape_cast %slice3A : vector<1x128x128xf32> to vector<128x128xf32>
      %get3A_19 = arith.constant 0 : index
      %get3A_20 = arith.constant 0 : index
      %get3A_21 = vector.load %arg4[%get3A_19, %get3A_20] : memref<4x128xf32, #tpu.memory_space<vmem>>, vector<1x128xf32>
      %get3A_22 = vector.shape_cast %get3A_21 : vector<1x128xf32> to vector<128xf32>
      %broadcast_in_dim3A = vector.shape_cast %get3A_22 : vector<128xf32> to vector<128x1xf32>
      %dot_general3A_23 = arith.constant dense<0.000000e+00> : vector<128x1xf32>
      %dot_general3A_24 = tpu.matmul %squeeze3A, %broadcast_in_dim3A, %dot_general3A_23 {dimension_numbers = #tpu.dot_dimension_numbers<[1], [0], [0], [1], [0, 0, 1, 1], [], []>, transpose_lhs_hint = false} : vector<128x128xf32>, vector<128x1xf32>, vector<128x1xf32> -> vector<128x1xf32>
      %get3A_25 = arith.constant 0 : index
      %get3A_26 = arith.constant 0 : index
      %get3A_27 = vector.load %arg5[%get3A_25, %get3A_26] : memref<4x128xf32, #tpu.memory_space<vmem>>, vector<1x128xf32>
      %get3A_28 = vector.shape_cast %get3A_27 : vector<1x128xf32> to vector<128xf32>
      %broadcast_in_dim3A_29 = vector.shape_cast %get3A_28 : vector<128xf32> to vector<128x1xf32>
      %dot_general3A_30 = arith.constant dense<0.000000e+00> : vector<128x1xf32>
      %dot_general3A_31 = tpu.matmul %squeeze3A, %broadcast_in_dim3A_29, %dot_general3A_30 {dimension_numbers = #tpu.dot_dimension_numbers<[1], [0], [0], [1], [0, 0, 1, 1], [], []>, transpose_lhs_hint = false} : vector<128x128xf32>, vector<128x1xf32>, vector<128x1xf32> -> vector<128x1xf32>
      %slice3A_32 = vector.extract_strided_slice %get3A_18 {offsets = [1, 0, 0], sizes = [1, 128, 128], strides = [1, 1, 1]} : vector<4x128x128xf32> to vector<1x128x128xf32>
      %squeeze3A_33 = vector.shape_cast %slice3A_32 : vector<1x128x128xf32> to vector<128x128xf32>
      %get3A_34 = arith.constant 1 : index
      %get3A_35 = arith.constant 0 : index
      %get3A_36 = vector.load %arg4[%get3A_34, %get3A_35] : memref<4x128xf32, #tpu.memory_space<vmem>>, vector<1x128xf32>
      %get3A_37 = vector.shape_cast %get3A_36 : vector<1x128xf32> to vector<128xf32>
      %broadcast_in_dim3A_38 = vector.shape_cast %get3A_37 : vector<128xf32> to vector<128x1xf32>
      %dot_general3A_39 = arith.constant dense<0.000000e+00> : vector<128x1xf32>
      %dot_general3A_40 = tpu.matmul %squeeze3A_33, %broadcast_in_dim3A_38, %dot_general3A_39 {dimension_numbers = #tpu.dot_dimension_numbers<[1], [0], [0], [1], [0, 0, 1, 1], [], []>, transpose_lhs_hint = false} : vector<128x128xf32>, vector<128x1xf32>, vector<128x1xf32> -> vector<128x1xf32>
      %get3A_41 = arith.constant 1 : index
      %get3A_42 = arith.constant 0 : index
      %get3A_43 = vector.load %arg5[%get3A_41, %get3A_42] : memref<4x128xf32, #tpu.memory_space<vmem>>, vector<1x128xf32>
      %get3A_44 = vector.shape_cast %get3A_43 : vector<1x128xf32> to vector<128xf32>
      %broadcast_in_dim3A_45 = vector.shape_cast %get3A_44 : vector<128xf32> to vector<128x1xf32>
      %dot_general3A_46 = arith.constant dense<0.000000e+00> : vector<128x1xf32>
      %dot_general3A_47 = tpu.matmul %squeeze3A_33, %broadcast_in_dim3A_45, %dot_general3A_46 {dimension_numbers = #tpu.dot_dimension_numbers<[1], [0], [0], [1], [0, 0, 1, 1], [], []>, transpose_lhs_hint = false} : vector<128x128xf32>, vector<128x1xf32>, vector<128x1xf32> -> vector<128x1xf32>
      %slice3A_48 = vector.extract_strided_slice %get3A_18 {offsets = [2, 0, 0], sizes = [1, 128, 128], strides = [1, 1, 1]} : vector<4x128x128xf32> to vector<1x128x128xf32>
      %squeeze3A_49 = vector.shape_cast %slice3A_48 : vector<1x128x128xf32> to vector<128x128xf32>
      %get3A_50 = arith.constant 2 : index
      %get3A_51 = arith.constant 0 : index
      %get3A_52 = vector.load %arg4[%get3A_50, %get3A_51] : memref<4x128xf32, #tpu.memory_space<vmem>>, vector<1x128xf32>
      %get3A_53 = vector.shape_cast %get3A_52 : vector<1x128xf32> to vector<128xf32>
      %broadcast_in_dim3A_54 = vector.shape_cast %get3A_53 : vector<128xf32> to vector<128x1xf32>
      %dot_general3A_55 = arith.constant dense<0.000000e+00> : vector<128x1xf32>
      %dot_general3A_56 = tpu.matmul %squeeze3A_49, %broadcast_in_dim3A_54, %dot_general3A_55 {dimension_numbers = #tpu.dot_dimension_numbers<[1], [0], [0], [1], [0, 0, 1, 1], [], []>, transpose_lhs_hint = false} : vector<128x128xf32>, vector<128x1xf32>, vector<128x1xf32> -> vector<128x1xf32>
      %get3A_57 = arith.constant 2 : index
      %get3A_58 = arith.constant 0 : index
      %get3A_59 = vector.load %arg5[%get3A_57, %get3A_58] : memref<4x128xf32, #tpu.memory_space<vmem>>, vector<1x128xf32>
      %get3A_60 = vector.shape_cast %get3A_59 : vector<1x128xf32> to vector<128xf32>
      %broadcast_in_dim3A_61 = vector.shape_cast %get3A_60 : vector<128xf32> to vector<128x1xf32>
      %dot_general3A_62 = arith.constant dense<0.000000e+00> : vector<128x1xf32>
      %dot_general3A_63 = tpu.matmul %squeeze3A_49, %broadcast_in_dim3A_61, %dot_general3A_62 {dimension_numbers = #tpu.dot_dimension_numbers<[1], [0], [0], [1], [0, 0, 1, 1], [], []>, transpose_lhs_hint = false} : vector<128x128xf32>, vector<128x1xf32>, vector<128x1xf32> -> vector<128x1xf32>
      %slice3A_64 = vector.extract_strided_slice %get3A_18 {offsets = [3, 0, 0], sizes = [1, 128, 128], strides = [1, 1, 1]} : vector<4x128x128xf32> to vector<1x128x128xf32>
      %squeeze3A_65 = vector.shape_cast %slice3A_64 : vector<1x128x128xf32> to vector<128x128xf32>
      %get3A_66 = arith.constant 3 : index
      %get3A_67 = arith.constant 0 : index
      %get3A_68 = vector.load %arg4[%get3A_66, %get3A_67] : memref<4x128xf32, #tpu.memory_space<vmem>>, vector<1x128xf32>
      %get3A_69 = vector.shape_cast %get3A_68 : vector<1x128xf32> to vector<128xf32>
      %broadcast_in_dim3A_70 = vector.shape_cast %get3A_69 : vector<128xf32> to vector<128x1xf32>
      %dot_general3A_71 = arith.constant dense<0.000000e+00> : vector<128x1xf32>
      %dot_general3A_72 = tpu.matmul %squeeze3A_65, %broadcast_in_dim3A_70, %dot_general3A_71 {dimension_numbers = #tpu.dot_dimension_numbers<[1], [0], [0], [1], [0, 0, 1, 1], [], []>, transpose_lhs_hint = false} : vector<128x128xf32>, vector<128x1xf32>, vector<128x1xf32> -> vector<128x1xf32>
      %get3A_73 = arith.constant 3 : index
      %get3A_74 = arith.constant 0 : index
      %get3A_75 = vector.load %arg5[%get3A_73, %get3A_74] : memref<4x128xf32, #tpu.memory_space<vmem>>, vector<1x128xf32>
      %get3A_76 = vector.shape_cast %get3A_75 : vector<1x128xf32> to vector<128xf32>
      %broadcast_in_dim3A_77 = vector.shape_cast %get3A_76 : vector<128xf32> to vector<128x1xf32>
      %dot_general3A_78 = arith.constant dense<0.000000e+00> : vector<128x1xf32>
      %dot_general3A_79 = tpu.matmul %squeeze3A_65, %broadcast_in_dim3A_77, %dot_general3A_78 {dimension_numbers = #tpu.dot_dimension_numbers<[1], [0], [0], [1], [0, 0, 1, 1], [], []>, transpose_lhs_hint = false} : vector<128x128xf32>, vector<128x1xf32>, vector<128x1xf32> -> vector<128x1xf32>
      %concatenate3A = tpu.concatenate %dot_general3A_24, %dot_general3A_31, %dot_general3A_40, %dot_general3A_47, %dot_general3A_56, %dot_general3A_63, %dot_general3A_72, %dot_general3A_79 in 1 : vector<128x1xf32>, vector<128x1xf32>, vector<128x1xf32>, vector<128x1xf32>, vector<128x1xf32>, vector<128x1xf32>, vector<128x1xf32>, vector<128x1xf32> -> vector<128x8xf32>
      %dot_general3A_80 = arith.constant dense<0.000000e+00> : vector<8x10000xf32>
      %dot_general3A_81 = tpu.matmul %concatenate3A, %get3A_1, %dot_general3A_80 {dimension_numbers = #tpu.dot_dimension_numbers<[0], [1], [1], [0], [0, 1, 1, 0], [], []>, transpose_lhs_hint = false} : vector<128x8xf32>, vector<10000x128xf32>, vector<8x10000xf32> -> vector<8x10000xf32>
      %broadcast_in_dim3A_82 = arith.constant 0.000000e+00 : f32
      %broadcast_in_dim3A_83 = vector.broadcast %broadcast_in_dim3A_82 : f32 to vector<8x16xf32>
      %concatenate3A_84 = tpu.concatenate %dot_general3A_81, %broadcast_in_dim3A_83 in 1 : vector<8x10000xf32>, vector<8x16xf32> -> vector<8x10016xf32>
      %swap3A_85 = arith.constant 0 : index
      %swap3A_86 = arith.constant 0 : index
      %swap3A_87 = vector.load %arg7[%swap3A_85, %swap3A_86] : memref<8x10016xf32, #tpu.memory_space<vmem>>, vector<8x10016xf32>
      tpu.vector_store %arg7[%swap3A_85, %swap3A_86], %concatenate3A_84 {strides = array<i32>} : memref<8x10016xf32, #tpu.memory_space<vmem>>, vector<8x10016xf32>,
    } else {
    }
    return
  }
  func.func @transform_0(%arg0: i32) -> (i32, i32) {
    %c0_i32 = arith.constant 0 : i32
    %c0_i32_0 = arith.constant 0 : i32
    %c0_i32_1 = arith.constant 0 : i32
    return %c0_i32, %c0_i32_0 : i32, i32
  }
  func.func @transform_1(%arg0: i32) -> (i32, i32, i32) {
    %c0_i32 = arith.constant 0 : i32
    %c0_i32_0 = arith.constant 0 : i32
    %c0_i32_1 = arith.constant 0 : i32
    return %arg0, %c0_i32, %c0_i32_0 : i32, i32, i32
  }
  func.func @transform_2(%arg0: i32) -> (i32, i32, i32) {
    %c0_i32 = arith.constant 0 : i32
    %c0_i32_0 = arith.constant 0 : i32
    %c0_i32_1 = arith.constant 0 : i32
    %c0_i32_2 = arith.constant 0 : i32
    return %c0_i32, %c0_i32_0, %c0_i32_1 : i32, i32, i32
  }
  func.func @transform_3(%arg0: i32) -> (i32, i32) {
    %c0_i32 = arith.constant 0 : i32
    %c0_i32_0 = arith.constant 0 : i32
    %c0_i32_1 = arith.constant 0 : i32
    return %c0_i32, %c0_i32_0 : i32, i32
  }
  func.func @transform_4(%arg0: i32) -> (i32, i32) {
    %c0_i32 = arith.constant 0 : i32
    %c0_i32_0 = arith.constant 0 : i32
    %c0_i32_1 = arith.constant 0 : i32
    return %c0_i32, %c0_i32_0 : i32, i32
  }
  func.func @transform_5(%arg0: i32) -> (i32, i32, i32) {
    %c0_i32 = arith.constant 0 : i32
    %c0_i32_0 = arith.constant 0 : i32
    %c0_i32_1 = arith.constant 0 : i32
    return %arg0, %c0_i32, %c0_i32_0 : i32, i32, i32
  }
  func.func @transform_6(%arg0: i32) -> (i32, i32) {
    %c0_i32 = arith.constant 0 : i32
    %c0_i32_0 = arith.constant 0 : i32
    %c0_i32_1 = arith.constant 0 : i32
    return %c0_i32, %c0_i32_0 : i32, i32
  }
}

module attributes {stable_mosaic.version = 14 : i64} {
  func.func @_mlp_body(%arg0: i32, %arg1: memref<2000x128xf32, #tpu.memory_space<vmem>>, %arg2: memref<4x2000x128xf32, #tpu.memory_space<vmem>>, %arg3: memref<640x128xf32, #tpu.memory_space<vmem>>, %arg4: memref<1x128xf32, #tpu.memory_space<vmem>>, %arg5: memref<128x128xf32, #tpu.memory_space<vmem>>, %arg6: memref<1x128xf32, #tpu.memory_space<vmem>>, %arg7: memref<2000x128xf32, #tpu.memory_space<vmem>>) attributes {dimension_semantics = [#tpu.dimension_semantics<arbitrary>], iteration_bounds = array<i64: 5>, scalar_prefetch = 0 : i64, scratch_operands = 0 : i64, tpu.core_type = #tpu.core_type<tc>, window_params = [{transform_indices = @transform_0, window_bounds = array<i64: 2000, 128>}, {transform_indices = @transform_1, window_bounds = array<i64: 4, 2000, 128>}, {pipeline_mode = #tpu.pipeline_mode<synchronous>, transform_indices = @transform_2, window_bounds = array<i64: 640, 128>}, {pipeline_mode = #tpu.pipeline_mode<synchronous>, transform_indices = @transform_3, window_bounds = array<i64: 1, 128>}, {pipeline_mode = #tpu.pipeline_mode<synchronous>, transform_indices = @transform_4, window_bounds = array<i64: 128, 128>}, {pipeline_mode = #tpu.pipeline_mode<synchronous>, transform_indices = @transform_5, window_bounds = array<i64: 1, 128>}, {transform_indices = @transform_6, window_bounds = array<i64: 2000, 128>}]} {
    %get3A = arith.constant 0 : index
    %get3A_0 = arith.constant 0 : index
    %get3A_1 = vector.load %arg1[%get3A, %get3A_0] : memref<2000x128xf32, #tpu.memory_space<vmem>>, vector<2000x128xf32>
    %get3A_2 = arith.constant 0 : index
    %get3A_3 = arith.constant 0 : index
    %get3A_4 = vector.load %arg3[%get3A_2, %get3A_3] : memref<640x128xf32, #tpu.memory_space<vmem>>, vector<128x128xf32>
    %dot_general3A = arith.constant dense<0.000000e+00> : vector<2000x128xf32>
    %dot_general3A_5 = tpu.matmul %get3A_1, %get3A_4, %dot_general3A {dimension_numbers = #tpu.dot_dimension_numbers<[1], [0], [0], [1], [0, 0, 1, 1], [], []>, transpose_lhs_hint = false} : vector<2000x128xf32>, vector<128x128xf32>, vector<2000x128xf32> -> vector<2000x128xf32>
    %get3A_6 = arith.constant 0 : index
    %get3A_7 = arith.constant 0 : index
    %get3A_8 = arith.constant 0 : index
    %get3A_9 = vector.load %arg2[%get3A_6, %get3A_7, %get3A_8] : memref<4x2000x128xf32, #tpu.memory_space<vmem>>, vector<4x2000x128xf32>
    %slice3A = vector.extract_strided_slice %get3A_9 {offsets = [0, 0, 0], sizes = [1, 2000, 128], strides = [1, 1, 1]} : vector<4x2000x128xf32> to vector<1x2000x128xf32>
    %squeeze3A = vector.shape_cast %slice3A : vector<1x2000x128xf32> to vector<2000x128xf32>
    %get3A_10 = arith.constant 128 : index
    %get3A_11 = arith.constant 0 : index
    %get3A_12 = vector.load %arg3[%get3A_10, %get3A_11] : memref<640x128xf32, #tpu.memory_space<vmem>>, vector<128x128xf32>
    %dot_general3A_13 = arith.constant dense<0.000000e+00> : vector<2000x128xf32>
    %dot_general3A_14 = tpu.matmul %squeeze3A, %get3A_12, %dot_general3A_13 {dimension_numbers = #tpu.dot_dimension_numbers<[1], [0], [0], [1], [0, 0, 1, 1], [], []>, transpose_lhs_hint = false} : vector<2000x128xf32>, vector<128x128xf32>, vector<2000x128xf32> -> vector<2000x128xf32>
    %add3A = arith.addf %dot_general3A_5, %dot_general3A_14 : vector<2000x128xf32>
    %slice3A_15 = vector.extract_strided_slice %get3A_9 {offsets = [1, 0, 0], sizes = [1, 2000, 128], strides = [1, 1, 1]} : vector<4x2000x128xf32> to vector<1x2000x128xf32>
    %squeeze3A_16 = vector.shape_cast %slice3A_15 : vector<1x2000x128xf32> to vector<2000x128xf32>
    %get3A_17 = arith.constant 256 : index
    %get3A_18 = arith.constant 0 : index
    %get3A_19 = vector.load %arg3[%get3A_17, %get3A_18] : memref<640x128xf32, #tpu.memory_space<vmem>>, vector<128x128xf32>
    %dot_general3A_20 = arith.constant dense<0.000000e+00> : vector<2000x128xf32>
    %dot_general3A_21 = tpu.matmul %squeeze3A_16, %get3A_19, %dot_general3A_20 {dimension_numbers = #tpu.dot_dimension_numbers<[1], [0], [0], [1], [0, 0, 1, 1], [], []>, transpose_lhs_hint = false} : vector<2000x128xf32>, vector<128x128xf32>, vector<2000x128xf32> -> vector<2000x128xf32>
    %add3A_22 = arith.addf %add3A, %dot_general3A_21 : vector<2000x128xf32>
    %slice3A_23 = vector.extract_strided_slice %get3A_9 {offsets = [2, 0, 0], sizes = [1, 2000, 128], strides = [1, 1, 1]} : vector<4x2000x128xf32> to vector<1x2000x128xf32>
    %squeeze3A_24 = vector.shape_cast %slice3A_23 : vector<1x2000x128xf32> to vector<2000x128xf32>
    %get3A_25 = arith.constant 384 : index
    %get3A_26 = arith.constant 0 : index
    %get3A_27 = vector.load %arg3[%get3A_25, %get3A_26] : memref<640x128xf32, #tpu.memory_space<vmem>>, vector<128x128xf32>
    %dot_general3A_28 = arith.constant dense<0.000000e+00> : vector<2000x128xf32>
    %dot_general3A_29 = tpu.matmul %squeeze3A_24, %get3A_27, %dot_general3A_28 {dimension_numbers = #tpu.dot_dimension_numbers<[1], [0], [0], [1], [0, 0, 1, 1], [], []>, transpose_lhs_hint = false} : vector<2000x128xf32>, vector<128x128xf32>, vector<2000x128xf32> -> vector<2000x128xf32>
    %add3A_30 = arith.addf %add3A_22, %dot_general3A_29 : vector<2000x128xf32>
    %slice3A_31 = vector.extract_strided_slice %get3A_9 {offsets = [3, 0, 0], sizes = [1, 2000, 128], strides = [1, 1, 1]} : vector<4x2000x128xf32> to vector<1x2000x128xf32>
    %squeeze3A_32 = vector.shape_cast %slice3A_31 : vector<1x2000x128xf32> to vector<2000x128xf32>
    %get3A_33 = arith.constant 512 : index
    %get3A_34 = arith.constant 0 : index
    %get3A_35 = vector.load %arg3[%get3A_33, %get3A_34] : memref<640x128xf32, #tpu.memory_space<vmem>>, vector<128x128xf32>
    %dot_general3A_36 = arith.constant dense<0.000000e+00> : vector<2000x128xf32>
    %dot_general3A_37 = tpu.matmul %squeeze3A_32, %get3A_35, %dot_general3A_36 {dimension_numbers = #tpu.dot_dimension_numbers<[1], [0], [0], [1], [0, 0, 1, 1], [], []>, transpose_lhs_hint = false} : vector<2000x128xf32>, vector<128x128xf32>, vector<2000x128xf32> -> vector<2000x128xf32>
    %add3A_38 = arith.addf %add3A_30, %dot_general3A_37 : vector<2000x128xf32>
    %get3A_39 = arith.constant 0 : index
    %get3A_40 = arith.constant 0 : index
    %get3A_41 = vector.load %arg4[%get3A_39, %get3A_40] : memref<1x128xf32, #tpu.memory_space<vmem>>, vector<1x128xf32>
    %add3A_42 = vector.broadcast %get3A_41 : vector<1x128xf32> to vector<2000x128xf32>
    %add3A_43 = arith.addf %add3A_38, %add3A_42 : vector<2000x128xf32>
    %tanh3A = math.tanh %add3A_43 : vector<2000x128xf32>
    %get3A_44 = arith.constant 0 : index
    %get3A_45 = arith.constant 0 : index
    %get3A_46 = vector.load %arg5[%get3A_44, %get3A_45] : memref<128x128xf32, #tpu.memory_space<vmem>>, vector<128x128xf32>
    %dot_general3A_47 = arith.constant dense<0.000000e+00> : vector<2000x128xf32>
    %dot_general3A_48 = tpu.matmul %tanh3A, %get3A_46, %dot_general3A_47 {dimension_numbers = #tpu.dot_dimension_numbers<[1], [0], [0], [1], [0, 0, 1, 1], [], []>, transpose_lhs_hint = false} : vector<2000x128xf32>, vector<128x128xf32>, vector<2000x128xf32> -> vector<2000x128xf32>
    %get3A_49 = arith.constant 0 : index
    %get3A_50 = arith.constant 0 : index
    %get3A_51 = vector.load %arg6[%get3A_49, %get3A_50] : memref<1x128xf32, #tpu.memory_space<vmem>>, vector<1x128xf32>
    %add3A_52 = vector.broadcast %get3A_51 : vector<1x128xf32> to vector<2000x128xf32>
    %add3A_53 = arith.addf %dot_general3A_48, %add3A_52 : vector<2000x128xf32>
    %swap3A = arith.constant 0 : index
    %swap3A_54 = arith.constant 0 : index
    %swap3A_55 = vector.load %arg7[%swap3A, %swap3A_54] : memref<2000x128xf32, #tpu.memory_space<vmem>>, vector<2000x128xf32>
    tpu.vector_store %arg7[%swap3A, %swap3A_54], %add3A_53 {strides = array<i32>} : memref<2000x128xf32, #tpu.memory_space<vmem>>, vector<2000x128xf32>,
    return
  }
  func.func @transform_0(%arg0: i32) -> (i32, i32) {
    %c0_i32 = arith.constant 0 : i32
    %c0_i32_0 = arith.constant 0 : i32
    return %arg0, %c0_i32 : i32, i32
  }
  func.func @transform_1(%arg0: i32) -> (i32, i32, i32) {
    %c0_i32 = arith.constant 0 : i32
    %c0_i32_0 = arith.constant 0 : i32
    %c0_i32_1 = arith.constant 0 : i32
    return %c0_i32, %arg0, %c0_i32_0 : i32, i32, i32
  }
  func.func @transform_2(%arg0: i32) -> (i32, i32) {
    %c0_i32 = arith.constant 0 : i32
    %c0_i32_0 = arith.constant 0 : i32
    %c0_i32_1 = arith.constant 0 : i32
    return %c0_i32, %c0_i32_0 : i32, i32
  }
  func.func @transform_3(%arg0: i32) -> (i32, i32) {
    %c0_i32 = arith.constant 0 : i32
    %c0_i32_0 = arith.constant 0 : i32
    %c0_i32_1 = arith.constant 0 : i32
    return %c0_i32, %c0_i32_0 : i32, i32
  }
  func.func @transform_4(%arg0: i32) -> (i32, i32) {
    %c0_i32 = arith.constant 0 : i32
    %c0_i32_0 = arith.constant 0 : i32
    %c0_i32_1 = arith.constant 0 : i32
    return %c0_i32, %c0_i32_0 : i32, i32
  }
  func.func @transform_5(%arg0: i32) -> (i32, i32) {
    %c0_i32 = arith.constant 0 : i32
    %c0_i32_0 = arith.constant 0 : i32
    %c0_i32_1 = arith.constant 0 : i32
    return %c0_i32, %c0_i32_0 : i32, i32
  }
  func.func @transform_6(%arg0: i32) -> (i32, i32) {
    %c0_i32 = arith.constant 0 : i32
    %c0_i32_0 = arith.constant 0 : i32
    return %arg0, %c0_i32 : i32, i32
  }
}

</mosaic_0001>

<sc_bundles>
// kernel: kernel.5.cloned.1.call-start
scs
__scs_entry_jumppad:
0x0: {  	(pc) =	sbr.rel $0x88, $3  }
0x1: {  	(tag) =	ssettag $0x0;
	lr =	simm.s32 $0x1  }
0x2: {  	[smem:$0x3F97] =	sst lr;
	_ =	strace $0xD0000000  }
0x3: {  	_ = 	snop  }
0x4: {  	_ = 	snop  }
0x5: {  	_ = 	snop  }
0x6: {  	_ = 	snop  }
0x7: {  	_ = 	snop  }
__scs_overlays_trampoline_lowered:
0x8: {  	[smem:$0x3FA6] =	sst s0  }
0x9: {  	[smem:$0x3FA7] =	sst s1  }
0xa: {  	[smem:$0x3FA8] =	sst s2  }
0xb: {  	[smem:$0x3FA9] =	sst s3  }
0xc: {  	[smem:$0x3FAA] =	sst s4  }
0xd: {  	[smem:$0x3FAB] =	sst s5  }
0xe: {  	[smem:$0x3FAC] =	sst s6  }
0xf: {  	[smem:$0x3FAD] =	sst s7  }
0x10: {  	[smem:$0x3FAE] =	sst s8  }
0x11: {  	[smem:$0x3FAF] =	sst s9;
	s0 =	simm.s32 @!p0 $0x0  }
0x12: {  	s1 =	sld [smem:$0x3F95];
	s0 =	simm.s32 @p0 $0x1  }
0x13: {  	[smem:$0x3FB0] =	sst s0;
	s0 =	simm.s32 @!p1 $0x0  }
0x14: {  	s2 =	sld [smem:$0x3F94];
	s0 =	simm.s32 @p1 $0x1  }
0x15: {  	[smem:$0x3FB1] =	sst s0;
	s0 =	simm.s32 @!p2 $0x0  }
0x16: {  	s3 =	sld [smem:$0x3FDB];
	s0 =	simm.s32 @p2 $0x1  }
0x17: {  	s4 =	simm.s32 $0x1BF5;
	[smem:$0x3FB3] =	sst s0  }
0x18: {  	s0 =	sld [smem:$0x3F96];
	_ =	swait.ge [sflag:s4], $0x0  }
0x19: {  	s7 =	sld [smem:$0x3F97]  }
0x1a: {  	s8 =	sadd.s32 $0xFFFFE003, lr  }
0x1b: {  	s9 =	sadd.s32 $0xFFFFFEF7, lr;
	s5 =	simm.s32 $0xFFFFFFFF;
	p2 =	slt.u32 s8, $0xFFFFF086  }
0x1c: {  	p1 =	slt.u32 s9, $0xF7A;
	s5 =	simm.s32 @!p2 $0x0  }
0x1d: {  	s5 =	simm.s32 @p1 $0x1;
	p0 =	seq.s32 s7, s2  }
0x1e: {  	s7 =	smul.u32 @!p0 $0xF7A, s2;
	p2 =	seq.s32 @!p0 s5, $0x0  }
0x1f: {  	s9 =	smul.u32 $0xF7A, s1;
	s8 =	simm.s32 @!p0 $0x1BF5;
	p2 =	por !p2, p0  }
0x20: {  	[sflag:s8] =	ssyncset.s32 @!p0 $0xFFFFF086;
	s6 =	sadd.s32 @!p0 s3, s7;
	s7 =	simm.s32 @!p0 $0x108  }
0x21: {  	s3 =	sadd.s32 s3, s9;
	s6 =	sadd.s32 @!p0 $0x88, s6;
	s7 =	simm.s32 @p2 $0x1082  }
0x22: {  	[simem:s7], [sflag:s8] =	dma.local @!p0 [hbm:s6], $0xF7A  }
0x23: {  	s9 =	sor.u32 $0xD0000000, s2;
	s6 =	simm.s32 $0x108;
	_ =	swait.ge @!p0 [sflag:s8], $0x0  }
0x24: {  	s3 =	sadd.s32 $0x88, s3;
	s6 =	simm.s32 @!p1 $0x1082;
	[sflag:s4] =	ssyncset.s32 $0xFFFFF086  }
0x25: {  	[simem:s6], [sflag:s4] =	dma.local [hbm:s3], $0xF7A  }
0x26: {  	[smem:$0x3F97] =	sst s1;
	(tag) =	ssettag s2;
	_ =	strace s9  }
0x27: {  	s1 =	sld [smem:$0x3FA7]  }
0x28: {  	s2 =	sld [smem:$0x3FA8]  }
0x29: {  	s4 =	sld [smem:$0x3FAA]  }
0x2a: {  	p0 =	seq.s32 s5, $0x0;
	s5 =	sld [smem:$0x3FAB]  }
0x2b: {  	s6 =	sld [smem:$0x3FAC]  }
0x2c: {  	s7 =	sld [smem:$0x3FAD]  }
0x2d: {  	s3 =	simm.s32 $0x108;
	s8 =	sld [smem:$0x3FAE]  }
0x2e: {  	s3 =	simm.s32 @!p0 $0x1082;
	s9 =	sld [smem:$0x3FAF]  }
0x2f: {  	lr =	sadd.s32 s0, s3;
	s0 =	sld [smem:$0x3FA6]  }
0x30: {  	s3 =	sld [smem:$0x3FA9]  }
0x31: {  	[smem:$0x3FB2] =	sst s10  }
0x32: {  	s10 =	sld [smem:$0x3FB0];
	_ =	sdelay $0x3  }
0x33: {  	p0 =	seq.s32 s10, $0x1;
	s10 =	sld [smem:$0x3FB2];
	_ =	sdelay $0x3  }
0x34: {  	[smem:$0x3FB2] =	sst s10  }
0x35: {  	s10 =	sld [smem:$0x3FB1];
	_ =	sdelay $0x3  }
0x36: {  	p1 =	seq.s32 s10, $0x1;
	s10 =	sld [smem:$0x3FB2];
	_ =	sdelay $0x3  }
0x37: {  	[smem:$0x3FB2] =	sst s10  }
0x38: {  	s10 =	sld [smem:$0x3FB3]  }
0x39: {  	_ = 	snop;
	(pc) =	sbr.ind lr, $3  }
0x3a: {  	_ = 	snop  }
0x3b: {  	_ = 	snop  }
0x3c: {  	p2 =	seq.s32 s10, $0x1;
	s10 =	sld [smem:$0x3FB2]  }
0x3d: {  	_ =	shalt  }
0x3e: {  	_ =	shalt  }
0x3f: {  	_ =	shalt  }
0x40: {  	_ =	shalt  }
0x41: {  	_ =	shalt  }
0x42: {  	_ =	shalt  }
0x43: {  	_ =	shalt  }
0x44: {  	_ =	shalt  }
0x45: {  	_ =	shalt  }
0x46: {  	_ =	shalt  }
0x47: {  	_ =	shalt  }
0x48: {  	_ =	shalt  }
0x49: {  	_ =	shalt  }
0x4a: {  	_ =	shalt  }
0x4b: {  	_ =	shalt  }
0x4c: {  	_ =	shalt  }
0x4d: {  	_ =	shalt  }
0x4e: {  	_ =	shalt  }
0x4f: {  	_ =	shalt  }
0x50: {  	_ =	shalt  }
0x51: {  	_ =	shalt  }
0x52: {  	_ =	shalt  }
0x53: {  	_ =	shalt  }
0x54: {  	_ =	shalt  }
0x55: {  	_ =	shalt  }
0x56: {  	_ =	shalt  }
0x57: {  	_ =	shalt  }
0x58: {  	_ =	shalt  }
0x59: {  	_ =	shalt  }
0x5a: {  	_ =	shalt  }
0x5b: {  	_ =	shalt  }
0x5c: {  	_ =	shalt  }
0x5d: {  	_ =	shalt  }
0x5e: {  	_ =	shalt  }
0x5f: {  	_ =	shalt  }
0x60: {  	_ =	shalt  }
0x61: {  	_ =	shalt  }
0x62: {  	_ =	shalt  }
0x63: {  	_ =	shalt  }
0x64: {  	_ =	shalt  }
0x65: {  	_ =	shalt  }
0x66: {  	_ =	shalt  }
0x67: {  	_ =	shalt  }
0x68: {  	_ =	shalt  }
0x69: {  	_ =	shalt  }
0x6a: {  	_ =	shalt  }
0x6b: {  	_ =	shalt  }
0x6c: {  	_ =	shalt  }
0x6d: {  	_ =	shalt  }
0x6e: {  	_ =	shalt  }
0x6f: {  	_ =	shalt  }
0x70: {  	_ =	shalt  }
0x71: {  	_ =	shalt  }
0x72: {  	_ =	shalt  }
0x73: {  	_ =	shalt  }
0x74: {  	_ =	shalt  }
0x75: {  	_ =	shalt  }
0x76: {  	_ =	shalt  }
0x77: {  	_ =	shalt  }
0x78: {  	_ =	shalt  }
0x79: {  	_ =	shalt  }
0x7a: {  	_ =	shalt  }
0x7b: {  	_ =	shalt  }
0x7c: {  	_ =	shalt  }
0x7d: {  	_ =	shalt  }
0x7e: {  	_ =	shalt  }
0x7f: {  	_ =	shalt  }
0x80: {  	_ =	shalt  }
0x81: {  	_ =	shalt  }
0x82: {  	_ =	shalt  }
0x83: {  	_ =	shalt  }
0x84: {  	_ =	shalt  }
0x85: {  	_ =	shalt  }
0x86: {  	_ =	shalt  }
0x87: {  	_ =	shalt  }
.Lfunc_end0:
.L_simem_size_0:
called_computation_lowered:
.L_overlay_start_0:
0x88: {  	s2 =	sld [smem:$0x3FD9]  }
0x89: {  	s3 =	sld [smem:$0x3FFE];
	_ =	sdelay $0x1  }
0x8a: {  	s1 =	srdreg.scid  }
0x8b: {  	s0 =	sand.u32 $0x1, s1  }
0x8c: {  	s17 =	sshll.u32 s0, $0xA;
	s2 =	sadd.s32 s3, s2  }
0x8d: {  	s2 =	sadd.s32 s2, s17  }
0x8e: {  	[smem:$0x3FBE] =	sst s2  }
0x8f: {  	_ = 	snop  }
0x90: {  	s2 =	sld [smem:$0x3FC4]  }
0x91: {  	s18 =	sld [smem:$0x3FD0];
	(tm) =	ssettm $0x1  }
0x92: {  	s4 =	sld [smem:$0x3FFB];
	_ =	sdelay $0x3  }
0x93: {  	_ =	strace s4  }
0x94: {  	s4 =	sld [smem:$0x3FFC];
	_ =	sdelay $0x3  }
0x95: {  	_ =	strace s4  }
0x96: {  	s4 =	sld [smem:$0x3FFD];
	_ =	sdelay $0x3  }
0x97: {  	_ =	strace s4  }
0x98: {  	_ =	strace $0x8FFFFFFF  }
0x99: {  	s19 =	sld [smem:$0x3FDB];
	_ =	sdelay $0x1  }
0x9a: {  	s5 =	simm.s32 $_scs_section_size  }
0x9b: {  	s6 =	simm.s32 $_size__tile_overlayer_lowered;
	s7 =	simm.s32 $_tile_overlayer_lowered  }
0x9c: {  	s22 =	simm.s32 $0x1BFF;
	s21 =	sshll.u32 s7, $0x1;
	s4 =	sadd.s32 s5, s19  }
0x9d: {  	s8 =	simm.s32 $0x0;
	s20 =	sshll.u32 s6, $0x1;
	s6 =	sadd.s32 s21, s4  }
0x9e: {  	[timem:s8], [sflag:s22] =	dma.local [hbm:s6], s20  }
0x9f: {  	_ =	swait.ge [sflag:s22], s20  }
0xa0: {  	s5 =	ssub.s32 $0x0, s20;
	[sflag:s22] =	ssyncset.done $0x0  }
0xa1: {  	[sflag:s22] =	ssyncadd.s32 s5;
	_ =	sdelay $0x1  }
0xa2: {  	s23 =	simm.s32 $0x1B8B  }
0xa3: {  	_ =	swait.ge [sflag:s23], $0x1  }
0xa4: {  	[sflag:s23] =	ssyncset.done $0x0  }
0xa5: {  	s25 =	simm.s32 $0x1B8E;
	s24 =	sld [smem:$0x3FFE];
	[sflag:s23] =	ssyncadd.s32 $0xFFFFFFFF  }
0xa6: {  	s26 =	simm.s32 $execute0_lowered;
	[smem:$0x3FD2] =	sst s25  }
0xa7: {  	s6 =	sshll.u32 s26, $0x1;
	_ =	strace $0x80000046;
	[dreg:$0x1] =	wrdreg $0xFFFFFFFF  }
0xa8: {  	s28 =	simm.s32 $_size_execute0_lowered;
	s4 =	sadd.s32 s4, s6;
	[dreg:$0x0] =	wrdreg $0x0  }
0xa9: {  	s6 =	sshll.u32 s28, $0x1;
	[dreg:$0x2] =	wrdreg s4  }
0xaa: {  	[dreg:$0x3] =	wrdreg s6  }
0xab: {  	[dreg:$0x4] =	wrdreg $0xC0  }
0xac: {  	_ =	task [dreg:s8], $0x5FFFF  }
0xad: {  	[dreg:$0x1] =	wrdreg $0xFFFFFFFF  }
0xae: {  	[dreg:$0x0] =	wrdreg $0x60  }
0xaf: {  	[dreg:$0x2] =	wrdreg s24  }
0xb0: {  	[dreg:$0x3] =	wrdreg s18  }
0xb1: {  	[dreg:$0x4] =	wrdreg s2  }
0xb2: {  	[dreg:$0x5] =	wrdreg $0x0  }
0xb3: {  	[dreg:$0x6] =	wrdreg $0x140000  }
0xb4: {  	[dreg:$0x7] =	wrdreg $0x9  }
0xb5: {  	_ =	task.clear_ibuf [dreg:s8], $0x8FFFF;
	_ =	strace $0x90000046  }
0xb6: {  	s29 =	simm.s32 $0x9;
	_ =	strace $0x80000048  }
0xb7: {  	_ =	swait.ge [sflag:s29], $0x1  }
0xb8: {  	[sflag:s29] =	ssyncadd.s32 $0xFFFFFFFF  }
0xb9: {  	_ =	strace $0x90000048  }
0xba: {  	_ =	sfence  }
0xbb: {  	s30 =	sld [smem:$0x0];
	_ =	sdelay $0x2  }
0xbc: {  	s31 =	sshll.u32 s1, $0xD;
	s1 =	sshrl.u32 s1, $0x2  }
0xbd: {  	s3 =	sand.u32 $0x4000, s31;
	s1 =	sadd.s32 s1, s30  }
0xbe: {  	s0 =	sor.u32 s3, s0;
	s1 =	sshll.u32 s1, $0x11  }
0xbf: {  	s0 =	sor.u32 s1, s0  }
0xc0: {  	s0 =	sadd.s32 $0x8F2B, s0  }
0xc1: {  	[sflag:s0] =	ssyncadd.remote.s32 $0x1  }
0xc2: {  	_ =	sfence.sel $0xFFFF  }
0xc3: {  	[dreg:$0x0] =	wrdreg $0xFFFFFFFF;
	(pc) =	sbr.abs _section_cstart, $3  }
0xc4: {  	[dreg:$0x1] =	wrdreg $0xFFFFFFFF  }
0xc5: {  	_ =	task.clear_ibuf [dreg:s8], $0x2FFFF;
	_ =	strace $0x9FFFFFFF  }
0xc6: {  	(tm) =	ssettm $0x7FFFFFFF  }
0xc7: {  	_ =	shalt  }
tec
execute0_lowered:
.L_overlay_start_1:
0x0: {  	(tag) =	ssettag $0x1  }
0x1: {  	s0 =	rddreg [dreg:$0x0]  }
0x2: {  	s4 =	rddreg [dreg:$0x1]  }
0x3: {  	s10 =	rddreg [dreg:$0x2]  }
0x4: {  	s1 =	rddreg [dreg:$0x3]  }
0x5: {  	s2 =	rddreg [dreg:$0x4];
	s5 =	srdreg.scid  }
0x6: {  	s3 =	simm.s32 $0x0;
	s20 =	stileid.u32;
	s28 =	simm.s32 $0x19180  }
0x7: {  	s29 =	simm.s32 $0x19200;
	s30 =	simm.s32 $0x40;
	s7 =	smul.u32 $0x280, s20  }
0x8: {  	s31 =	simm.s32 $0x1;
	s12 =	sand.u32 $0x1, s5;
	s16 =	smul.u32 $0x50C0, s20  }
0x9: {  	[smem:$0x7FF] =	sst s3;
	s5 =	sadd.s32 $0x52C00, s0;
	s26 =	smul.u32 $0x50000, s20  }
0xa: {  	s6 =	sadd.s32 $0x2000, s0;
	s8 =	sadd.s32 $0x2A600, s0;
	s11 =	smul.u32 $0x1390, s12  }
0xb: {  	s9 =	sadd.s32 $0xEF000, s0;
	s13 =	smul.u32 $0x9C80, s12;
	s14 =	ssub.s32 $0x2, s12  }
0xc: {  	_ =	strace $0x80000047;
	s15 =	smul.u32 $0xA1800, s12;
	s19 =	sshrl.u32 s14, $0x1  }
0xd: {  	s0 =	smul.u32 $0xFFFFB1E0, s12;
	s20 =	sshrl.u32 s26, $0x2;
	s17 =	ssub.s32 s14, s19  }
0xe: {  	s21 =	sadd.s32 s4, s11;
	s13 =	sshrl.u32 s13, $0x3;
	s11 =	smul.u32 $0x5000, s12  }
0xf: {  	s19 =	sshllo.u32 s12, $0x1;
	s12 =	sshll.u32 s12, $0x5;
	s14 =	sadd.s32 s16, s15  }
0x10: {  	v0 =	vmov s0;
	s0 =	simm.s32 $0x0;
	[dreg:$0x6] =	wrdreg s21;
	s18 =	smul.u32 $0x4E40, s19  }
0x11: {  	s13 =	sadd.s32 s4, s13;
	s12 =	sadd.s32 s10, s12;
	s22 =	smul.u32 $0x9C8, s19  }
0x12: {  	s24 =	smul.u32 $0x50C00, s19;
	s17 =	smax.u32 s17, $0x1;
	[dreg:$0x8] =	wrdreg s12  }
0x13: {  	s25 =	sshll.u32 s19, $0x4;
	s13 =	sadd.s32 $0x4E4, s13;
	[dreg:$0xc] =	wrdreg s17  }
0x14: {  	s21 =	sor.u32 $0x40, s7;
	s17 =	sadd.s32 $0x100, s7;
	[dreg:$0x7] =	wrdreg s13  }
0x15: {  	s23 =	sshrl.u32 s18, $0x3;
	s12 =	sadd.s32 s4, s22;
	s18 =	sadd.s32 s16, s24  }
0x16: {  	s22 =	sshll.u32 s21, $0x7;
	[dreg:$0x9] =	wrdreg s12;
	s4 =	sadd.s32 s4, s23  }
0x17: {  	s12 =	smul.u32 $0xFFFFD8F0, s19;
	s23 =	sadd.s32 $0x80, s7;
	s4 =	sadd.s32 $0x4E4, s4  }
0x18: {  	s19 =	smul.u32 $0x2800, s19;
	s16 =	sadd.s32 s23, s2;
	[dreg:$0xa] =	wrdreg s4  }
0x19: {  	s24 =	sshll.u32 s23, $0x7;
	s4 =	sadd.s32 s10, s25;
	[dreg:$0x11] =	wrdreg s16  }
0x1a: {  	s25 =	sadd.s32 $0xC0, s7;
	s10 =	sadd.s32 s21, s2;
	[dreg:$0xb] =	wrdreg s4  }
0x1b: {  	s21 =	sshll.u32 s17, $0x7;
	s4 =	sadd.s32 s20, s1;
	[dreg:$0xf] =	wrdreg s10  }
0x1c: {  	s16 =	sadd.s32 $0x1C0, s7;
	s20 =	sadd.s32 s25, s2;
	[dreg:$0xd] =	wrdreg s4  }
0x1d: {  	s26 =	sshll.u32 s25, $0x7;
	s10 =	sadd.s32 s21, s1;
	[dreg:$0x13] =	wrdreg s20  }
0x1e: {  	s21 =	sadd.s32 $0x200, s7;
	s4 =	sadd.s32 s22, s1;
	[dreg:$0x14] =	wrdreg s10  }
0x1f: {  	s22 =	sadd.s32 $0x140, s7;
	s20 =	sshll.u32 s16, $0x7;
	[dreg:$0xe] =	wrdreg s4  }
0x20: {  	s4 =	sadd.s32 s24, s1;
	s23 =	sshll.u32 s22, $0x7;
	s24 =	sadd.s32 $0x180, s7  }
0x21: {  	s13 =	sadd.s32 s22, s2;
	s10 =	sadd.s32 s20, s1;
	[dreg:$0x10] =	wrdreg s4  }
0x22: {  	s22 =	sshll.u32 s21, $0x7;
	s4 =	sadd.s32 s26, s1;
	[dreg:$0x17] =	wrdreg s13  }
0x23: {  	s25 =	sadd.s32 s23, s1;
	s26 =	sshll.u32 s24, $0x7;
	[dreg:$0x1a] =	wrdreg s10  }
0x24: {  	s23 =	sadd.s32 $0x240, s7;
	[dreg:$0x12] =	wrdreg s4;
	s4 =	sadd.s32 s17, s2  }
0x25: {  	[dreg:$0x16] =	wrdreg s25;
	s17 =	sadd.s32 s24, s2;
	s24 =	sadd.s32 s22, s1  }
0x26: {  	s25 =	sshll.u32 s23, $0x7;
	s20 =	sadd.s32 s23, s2;
	[dreg:$0x15] =	wrdreg s4  }
0x27: {  	s22 =	simm.s32 $0x14280;
	s23 =	simm.s32 $0x2;
	[dreg:$0x19] =	wrdreg s17  }
0x28: {  	s4 =	sadd.s32 s26, s1;
	[dreg:$0x1c] =	wrdreg s24;
	s26 =	sadd.s32 s21, s2  }
0x29: {  	s17 =	sadd.s32 s25, s1;
	s21 =	sadd.s32 s7, s2;
	[dreg:$0x18] =	wrdreg s4  }
0x2a: {  	s24 =	simm.s32 $0x16A00;
	s4 =	sadd.s32 s16, s2;
	[dreg:$0x1d] =	wrdreg s26  }
0x2b: {  	v2 =	vimm.f32 $0.0e+00;
	v1 =	vmov s12;
	s25 =	simm.s32 $0x19280;
	s26 =	simm.s32 $0x1B280;
	[dreg:$0x1b] =	wrdreg s4  }
.LBB2_1:
0x2c: {  	s4 =	rddreg [dreg:$0x6]  }
0x2d: {  	[tilespmem:s22], [sflag:$0x2] =	stream.linear.gather [hbm4b:s4+s3], $0x2720, $0x38;
	[tilespmem:$0x1B380] =	vst v63  }
0x2e: {  	_ =	swait.ge [sflag:s23], $0x2720  }
0x2f: {  	[sflag:s23] =	ssyncset.done $0x0  }
0x30: {  	s15 =	rddreg [dreg:$0x7];
	[sflag:s23] =	ssyncadd.s32 $0xFFFFD8E0  }
0x31: {  	[tilespmem:s24], [sflag:$0x2] =	stream.linear.gather [hbm4b:s15+s3], $0x2720, $0x38;
	[tilespmem:$0x1B380] =	vst v63  }
0x32: {  	_ =	swait.ge [sflag:s23], $0x2720  }
0x33: {  	[sflag:s23] =	ssyncset.done $0x0  }
0x34: {  	s10 =	simm.s32 $0x1B300;
	s16 =	rddreg [dreg:$0x8];
	[sflag:s23] =	ssyncadd.s32 $0xFFFFD8E0  }
0x35: {  	[tilespmem:s10], [sflag:$0x2] =	stream.linear.gather [hbm4b:s16+s3], $0x80, $0x38;
	[tilespmem:$0x1B380] =	vst v63  }
0x36: {  	_ =	swait.ge [sflag:s23], $0x80  }
0x37: {  	[sflag:s23] =	ssyncset.done $0x0  }
0x38: {  	s4 =	simm.s32 $0x0;
	s10 =	simm.s32 $0x200;
	[sflag:s23] =	ssyncadd.s32 $0xFFFFFF80  }
.LBB2_2:
0x39: {  	p0 =	sne.s32 s10, $0x7E00;
	[tilespmem:s4+$0x192F0] =	vst v2  }
0x3a: {  	[tilespmem:s4+$0x19280] =	vst v2  }
0x3b: {  	[tilespmem:s4+$0x19290] =	vst v2  }
.Ltmp0:
0x3c: {  	[tilespmem:s4+$0x192A0] =	vst v2;
	(pc) =	sbr.rel @p0 .LBB2_2-.Ltmp0, $4  }
0x3d: {  	[tilespmem:s4+$0x192B0] =	vst v2  }
0x3e: {  	[tilespmem:s4+$0x192C0] =	vst v2  }
0x3f: {  	[tilespmem:s4+$0x192D0] =	vst v2  }
0x40: {  	[tilespmem:s4+$0x192E0] =	vst v2;
	s4 =	sshra.s32 s10, $0x2;
	s10 =	sadd.s32 $0x200, s10  }
0x41: {  	[tilespmem:s4+$0x192F0] =	vst v2  }
0x42: {  	[tilespmem:s4+$0x19280] =	vst v2  }
0x43: {  	[tilespmem:s4+$0x19290] =	vst v2  }
0x44: {  	[tilespmem:s4+$0x192A0] =	vst v2  }
0x45: {  	[tilespmem:s4+$0x192B0] =	vst v2  }
0x46: {  	[tilespmem:s4+$0x192C0] =	vst v2  }
0x47: {  	[tilespmem:s4+$0x192D0] =	vst v2  }
0x48: {  	[tilespmem:s4+$0x192E0] =	vst v2  }
0x49: {  	[tilespmem:$0x1B280] =	vst v2  }
0x4a: {  	[tilespmem:$0x1B290] =	vst v2  }
0x4b: {  	[tilespmem:$0x1B2A0] =	vst v2  }
0x4c: {  	s15 =	rddreg [dreg:$0xd];
	[tilespmem:$0x1B2B0] =	vst v2  }
0x4d: {  	[spmem:s15] =	stream.linear.scatter [tilespmem:s25], [sflag:$0x2], $0x2000, $0x38;
	[tilespmem:$0x1B380] =	vst v63  }
0x4e: {  	_ =	swait.ge [sflag:s23], $0x2000  }
0x4f: {  	[sflag:s23] =	ssyncset.done $0x0  }
0x50: {  	[sflag:s23] =	ssyncadd.s32 $0xFFFFE000  }
0x51: {  	[spmem:s21] =	stream.linear.scatter [tilespmem:s26], [sflag:$0x2], $0x40, $0x38;
	[tilespmem:$0x1B380] =	vst v63  }
0x52: {  	_ =	swait.ge [sflag:s23], $0x40  }
0x53: {  	[sflag:s23] =	ssyncset.done $0x0  }
0x54: {  	s16 =	rddreg [dreg:$0xe];
	[sflag:s23] =	ssyncadd.s32 $0xFFFFFFC0  }
0x55: {  	[spmem:s16] =	stream.linear.scatter [tilespmem:s25], [sflag:$0x2], $0x2000, $0x38;
	[tilespmem:$0x1B380] =	vst v63  }
0x56: {  	_ =	swait.ge [sflag:s23], $0x2000  }
0x57: {  	[sflag:s23] =	ssyncset.done $0x0  }
0x58: {  	s10 =	rddreg [dreg:$0xf];
	[sflag:s23] =	ssyncadd.s32 $0xFFFFE000  }
0x59: {  	[spmem:s10] =	stream.linear.scatter [tilespmem:s26], [sflag:$0x2], $0x40, $0x38;
	[tilespmem:$0x1B380] =	vst v63  }
0x5a: {  	_ =	swait.ge [sflag:s23], $0x40  }
0x5b: {  	[sflag:s23] =	ssyncset.done $0x0  }
0x5c: {  	s12 =	rddreg [dreg:$0x10];
	[sflag:s23] =	ssyncadd.s32 $0xFFFFFFC0  }
0x5d: {  	[spmem:s12] =	stream.linear.scatter [tilespmem:s25], [sflag:$0x2], $0x2000, $0x38;
	[tilespmem:$0x1B380] =	vst v63  }
0x5e: {  	_ =	swait.ge [sflag:s23], $0x2000  }
0x5f: {  	[sflag:s23] =	ssyncset.done $0x0  }
0x60: {  	s13 =	rddreg [dreg:$0x11];
	[sflag:s23] =	ssyncadd.s32 $0xFFFFE000  }
0x61: {  	[spmem:s13] =	stream.linear.scatter [tilespmem:s26], [sflag:$0x2], $0x40, $0x38;
	[tilespmem:$0x1B380] =	vst v63  }
0x62: {  	_ =	swait.ge [sflag:s23], $0x40  }
0x63: {  	[sflag:s23] =	ssyncset.done $0x0  }
0x64: {  	s15 =	rddreg [dreg:$0x12];
	[sflag:s23] =	ssyncadd.s32 $0xFFFFFFC0  }
0x65: {  	[spmem:s15] =	stream.linear.scatter [tilespmem:s25], [sflag:$0x2], $0x2000, $0x38;
	[tilespmem:$0x1B380] =	vst v63  }
0x66: {  	_ =	swait.ge [sflag:s23], $0x2000  }
0x67: {  	[sflag:s23] =	ssyncset.done $0x0  }
0x68: {  	s16 =	rddreg [dreg:$0x13];
	[sflag:s23] =	ssyncadd.s32 $0xFFFFE000  }
0x69: {  	[spmem:s16] =	stream.linear.scatter [tilespmem:s26], [sflag:$0x2], $0x40, $0x38;
	[tilespmem:$0x1B380] =	vst v63  }
0x6a: {  	_ =	swait.ge [sflag:s23], $0x40  }
0x6b: {  	[sflag:s23] =	ssyncset.done $0x0  }
0x6c: {  	s10 =	rddreg [dreg:$0x14];
	[sflag:s23] =	ssyncadd.s32 $0xFFFFFFC0  }
0x6d: {  	[spmem:s10] =	stream.linear.scatter [tilespmem:s25], [sflag:$0x2], $0x2000, $0x38;
	[tilespmem:$0x1B380] =	vst v63  }
0x6e: {  	_ =	swait.ge [sflag:s23], $0x2000  }
0x6f: {  	[sflag:s23] =	ssyncset.done $0x0  }
0x70: {  	s12 =	rddreg [dreg:$0x15];
	[sflag:s23] =	ssyncadd.s32 $0xFFFFE000  }
0x71: {  	[spmem:s12] =	stream.linear.scatter [tilespmem:s26], [sflag:$0x2], $0x40, $0x38;
	[tilespmem:$0x1B380] =	vst v63  }
0x72: {  	_ =	swait.ge [sflag:s23], $0x40  }
0x73: {  	[sflag:s23] =	ssyncset.done $0x0  }
0x74: {  	s13 =	rddreg [dreg:$0x16];
	[sflag:s23] =	ssyncadd.s32 $0xFFFFFFC0  }
0x75: {  	[spmem:s13] =	stream.linear.scatter [tilespmem:s25], [sflag:$0x2], $0x2000, $0x38;
	[tilespmem:$0x1B380] =	vst v63  }
0x76: {  	_ =	swait.ge [sflag:s23], $0x2000  }
0x77: {  	[sflag:s23] =	ssyncset.done $0x0  }
0x78: {  	s15 =	rddreg [dreg:$0x17];
	[sflag:s23] =	ssyncadd.s32 $0xFFFFE000  }
0x79: {  	[spmem:s15] =	stream.linear.scatter [tilespmem:s26], [sflag:$0x2], $0x40, $0x38;
	[tilespmem:$0x1B380] =	vst v63  }
0x7a: {  	_ =	swait.ge [sflag:s23], $0x40  }
0x7b: {  	[sflag:s23] =	ssyncset.done $0x0  }
0x7c: {  	s16 =	rddreg [dreg:$0x18];
	[sflag:s23] =	ssyncadd.s32 $0xFFFFFFC0  }
0x7d: {  	[spmem:s16] =	stream.linear.scatter [tilespmem:s25], [sflag:$0x2], $0x2000, $0x38;
	[tilespmem:$0x1B380] =	vst v63  }
0x7e: {  	_ =	swait.ge [sflag:s23], $0x2000  }
0x7f: {  	[sflag:s23] =	ssyncset.done $0x0  }
0x80: {  	s10 =	rddreg [dreg:$0x19];
	[sflag:s23] =	ssyncadd.s32 $0xFFFFE000  }
0x81: {  	[spmem:s10] =	stream.linear.scatter [tilespmem:s26], [sflag:$0x2], $0x40, $0x38;
	[tilespmem:$0x1B380] =	vst v63  }
0x82: {  	_ =	swait.ge [sflag:s23], $0x40  }
0x83: {  	[sflag:s23] =	ssyncset.done $0x0  }
0x84: {  	s12 =	rddreg [dreg:$0x1a];
	[sflag:s23] =	ssyncadd.s32 $0xFFFFFFC0  }
0x85: {  	[spmem:s12] =	stream.linear.scatter [tilespmem:s25], [sflag:$0x2], $0x2000, $0x38;
	[tilespmem:$0x1B380] =	vst v63  }
0x86: {  	_ =	swait.ge [sflag:s23], $0x2000  }
0x87: {  	[sflag:s23] =	ssyncset.done $0x0  }
0x88: {  	s13 =	rddreg [dreg:$0x1b];
	[sflag:s23] =	ssyncadd.s32 $0xFFFFE000  }
0x89: {  	[spmem:s13] =	stream.linear.scatter [tilespmem:s26], [sflag:$0x2], $0x40, $0x38;
	[tilespmem:$0x1B380] =	vst v63  }
0x8a: {  	_ =	swait.ge [sflag:s23], $0x40  }
0x8b: {  	[sflag:s23] =	ssyncset.done $0x0  }
0x8c: {  	s15 =	rddreg [dreg:$0x1c];
	[sflag:s23] =	ssyncadd.s32 $0xFFFFFFC0  }
0x8d: {  	[spmem:s15] =	stream.linear.scatter [tilespmem:s25], [sflag:$0x2], $0x2000, $0x38;
	[tilespmem:$0x1B380] =	vst v63  }
0x8e: {  	_ =	swait.ge [sflag:s23], $0x2000  }
0x8f: {  	[sflag:s23] =	ssyncset.done $0x0  }
0x90: {  	s16 =	rddreg [dreg:$0x1d];
	[sflag:s23] =	ssyncadd.s32 $0xFFFFE000  }
0x91: {  	[spmem:s16] =	stream.linear.scatter [tilespmem:s26], [sflag:$0x2], $0x40, $0x38;
	[tilespmem:$0x1B380] =	vst v63  }
0x92: {  	_ =	swait.ge [sflag:s23], $0x40  }
0x93: {  	[sflag:s23] =	ssyncset.done $0x0  }
0x94: {  	[sflag:s23] =	ssyncadd.s32 $0xFFFFFFC0  }
0x95: {  	[spmem:s17] =	stream.linear.scatter [tilespmem:s25], [sflag:$0x2], $0x2000, $0x38;
	[tilespmem:$0x1B380] =	vst v63  }
0x96: {  	_ =	swait.ge [sflag:s23], $0x2000  }
0x97: {  	[sflag:s23] =	ssyncset.done $0x0  }
0x98: {  	[sflag:s23] =	ssyncadd.s32 $0xFFFFE000  }
0x99: {  	[spmem:s20] =	stream.linear.scatter [tilespmem:s26], [sflag:$0x2], $0x40, $0x38;
	[tilespmem:$0x1B380] =	vst v63  }
0x9a: {  	_ =	swait.ge [sflag:s23], $0x40  }
0x9b: {  	[sflag:s23] =	ssyncset.done $0x0  }
0x9c: {  	[sflag:s23] =	ssyncadd.s32 $0xFFFFFFC0  }
0x9d: {  	s4 =	simm.s32 $0x0;
	s10 =	simm.s32 $0x0;
	[bflag:$0x0] =	sbarrier.arrive $0xFFFF  }
.LBB2_4:
0x9e: {  	s12 =	sshll.u32 s10, $0x6  }
0x9f: {  	s12 =	sadd.s32 s12, s14  }
0xa0: {  	s12 =	sshrl.u32 s12, $0x3  }
0xa1: {  	s13 =	sadd.s32 s6, s12  }
0xa2: {  	[tilespmem:s28], [sflag:$0x2] =	stream.linear.gather [hbm4b:s13+s4], $0x40, $0x38;
	[tilespmem:$0x1B380] =	vst v63  }
0xa3: {  	_ =	swait.ge [sflag:s23], $0x40  }
0xa4: {  	[sflag:s23] =	ssyncset.done $0x0  }
0xa5: {  	s12 =	sadd.s32 s8, s12;
	[sflag:s23] =	ssyncadd.s32 $0xFFFFFFC0  }
0xa6: {  	[tilespmem:s29], [sflag:$0x2] =	stream.linear.gather [hbm4b:s12+s4], $0x40, $0x38;
	[tilespmem:$0x1B380] =	vst v63  }
0xa7: {  	_ =	swait.ge [sflag:s23], $0x40  }
0xa8: {  	[sflag:s23] =	ssyncset.done $0x0  }
0xa9: {  	[sflag:s23] =	ssyncadd.s32 $0xFFFFFFC0  }
0xaa: {  	[tilespmem:s25], [sflag:$0x1] =	stream.indirect.gather [hbm4b:s5+s30], $0x80, s28, s30, $0xb8;
	[tilespmem:$0x1B380] =	vst v63  }
0xab: {  	_ =	swait.ge [sflag:s31], $0x2000  }
0xac: {  	[sflag:s31] =	ssyncset.done $0x0  }
0xad: {  	[sflag:s31] =	ssyncadd.s32 $0xFFFFE000  }
0xae: {  	v3 =	vld [tilespmem:$0x19180]  }
0xaf: {  	v4 =	vld [tilespmem:$0x19200];
	_ =	sdelay $0x3  }
0xb0: {  	v3 =	vadd.s32 v0, v3;
	_ =	sdelay $0x3  }
0xb1: {  	v4 =	vld.idx.msk [tilespmem:v4+s24+$0x0], $0xffff  }
0xb2: {  	v3 =	vld.idx.msk [tilespmem:v3+s22+$0x0], $0xffff;
	_ =	sdelay $0x4  }
0xb3: {  	v3 =	vadd.f32 v4, v3;
	_ =	sdelay $0x1  }
0xb4: {  	v4 =	vmul.f32 $2.000000030e-01, v3  }
0xb5: {  	vm0 =	vge.f32 v3, $0.0e+00  }
0xb6: {  	v3 =	vsel vm0, v3, v4  }
0xb7: {  	v3 =	vmul.f32 $1.442695020e+00, v3;
	_ =	sdelay $0x1  }
0xb8: {  	(erf) = vpow2.f32 v3  }
0xb9: {  	v3 =	vld [tilespmem:$0x19190];
	_ =	sdelay $0x2  }
0xba: {  	v4 =	vld [tilespmem:$0x19210];
	_ =	sdelay $0x1  }
0xbb: {  	v3 =	vadd.s32 v0, v3;
	_ =	sdelay $0x2  }
0xbc: {  	v5 =	vpop (erf)  }
0xbd: {  	[tilespmem:$0x1B280] =	vst v5  }
0xbe: {  	v3 =	vld.idx.msk [tilespmem:v3+s22+$0x0], $0xffff  }
0xbf: {  	v4 =	vld.idx.msk [tilespmem:v4+s24+$0x0], $0xffff;
	_ =	sdelay $0x4  }
0xc0: {  	v3 =	vadd.f32 v4, v3;
	_ =	sdelay $0x1  }
0xc1: {  	v4 =	vmul.f32 $2.000000030e-01, v3  }
0xc2: {  	vm13 =	vge.f32 v3, $0.0e+00  }
0xc3: {  	v3 =	vsel vm13, v3, v4  }
0xc4: {  	v3 =	vmul.f32 $1.442695020e+00, v3;
	_ =	sdelay $0x1  }
0xc5: {  	(erf) = vpow2.f32 v3  }
0xc6: {  	v3 =	vld [tilespmem:$0x191A0];
	_ =	sdelay $0x2  }
0xc7: {  	v4 =	vld [tilespmem:$0x19220];
	_ =	sdelay $0x1  }
0xc8: {  	v3 =	vadd.s32 v0, v3;
	_ =	sdelay $0x2  }
0xc9: {  	v5 =	vpop (erf)  }
0xca: {  	[tilespmem:$0x1B290] =	vst v5  }
0xcb: {  	v3 =	vld.idx.msk [tilespmem:v3+s22+$0x0], $0xffff  }
0xcc: {  	v4 =	vld.idx.msk [tilespmem:v4+s24+$0x0], $0xffff;
	_ =	sdelay $0x4  }
0xcd: {  	v3 =	vadd.f32 v4, v3;
	_ =	sdelay $0x1  }
0xce: {  	v4 =	vmul.f32 $2.000000030e-01, v3  }
0xcf: {  	vm14 =	vge.f32 v3, $0.0e+00  }
0xd0: {  	v3 =	vsel vm14, v3, v4  }
0xd1: {  	v3 =	vmul.f32 $1.442695020e+00, v3;
	_ =	sdelay $0x1  }
0xd2: {  	(erf) = vpow2.f32 v3  }
0xd3: {  	v3 =	vld [tilespmem:$0x191B0];
	_ =	sdelay $0x2  }
0xd4: {  	v4 =	vld [tilespmem:$0x19230];
	_ =	sdelay $0x1  }
0xd5: {  	v3 =	vadd.s32 v0, v3;
	_ =	sdelay $0x2  }
0xd6: {  	v5 =	vpop (erf)  }
0xd7: {  	[tilespmem:$0x1B2A0] =	vst v5  }
0xd8: {  	v3 =	vld.idx.msk [tilespmem:v3+s22+$0x0], $0xffff  }
0xd9: {  	v4 =	vld.idx.msk [tilespmem:v4+s24+$0x0], $0xffff;
	_ =	sdelay $0x4  }
0xda: {  	v3 =	vadd.f32 v4, v3;
	_ =	sdelay $0x1  }
0xdb: {  	v4 =	vmul.f32 $2.000000030e-01, v3  }
0xdc: {  	vm15 =	vge.f32 v3, $0.0e+00  }
0xdd: {  	v3 =	vsel vm15, v3, v4  }
0xde: {  	v3 =	vmul.f32 $1.442695020e+00, v3;
	_ =	sdelay $0x1  }
0xdf: {  	(erf) = vpow2.f32 v3;
	_ =	sdelay $0x8  }
0xe0: {  	v4 =	vmov s4;
	v3 =	vpop (erf)  }
0xe1: {  	s12 =	simm.s32 $0x192C0;
	[tilespmem:$0x1B2B0] =	vst v3  }
0xe2: {  	v7 =	vld [tilespmem:s12+$0x30]  }
0xe3: {  	v10 =	vld [tilespmem:s12+$0x10]  }
0xe4: {  	v8 =	vld [tilespmem:s12+$0xFFFFFFC0]  }
0xe5: {  	v4 =	vld.idx.msk [tilespmem:v4+s26+$0x0], $0xffff  }
0xe6: {  	v12 =	vld [tilespmem:s12+$0xFFFFFFE0]  }
0xe7: {  	v3 =	vld [tilespmem:s12+$0xFFFFFFF0]  }
0xe8: {  	v5 =	vld [tilespmem:s12+$0x20]  }
0xe9: {  	v6 =	vld [tilespmem:s12+$0xFFFFFFD0]  }
0xea: {  	v11 =	vmul.f32 v7, v4;
	v7 =	vld [tilespmem:s12+$0x0]  }
0xeb: {  	v9 =	vmul.f32 v8, v4  }
0xec: {  	s15 =	simm.s32 $0x192C0;
	s13 =	simm.s32 $0x1;
	v8 =	vmul.f32 v12, v4;
	v10 =	vmul.f32 v10, v4  }
.LBB2_5:
0xed: {  	p0 =	sne.s32 s13, $0x3F  }
0xee: {  	v6 =	vmul.f32 v6, v4;
	v5 =	vmul.f32 v5, v4;
	[tilespmem:s12+$0x30] =	vst v11;
	s15 =	sadd.s32 $0x80, s15;
	s16 =	smov.u32 s13;
	s13 =	sadd.s32 $0x1, s13  }
0xef: {  	[tilespmem:s12+$0xFFFFFFC0] =	vst v9;
	v9 =	vmul.f32 v3, v4;
	v4 =	vmul.f32 v7, v4  }
0xf0: {  	[tilespmem:s12+$0x10] =	vst v10  }
0xf1: {  	v7 =	vmov s16;
	[tilespmem:s12+$0xFFFFFFE0] =	vst v8  }
0xf2: {  	v3 =	vld [tilespmem:s15+$0xFFFFFFF0];
	[tilespmem:s12+$0xFFFFFFF0] =	vst v9  }
0xf3: {  	v8 =	vld [tilespmem:s15+$0x30];
	[tilespmem:s12+$0x0] =	vst v4  }
0xf4: {  	v10 =	vld [tilespmem:s15+$0x10];
	[tilespmem:s12+$0x20] =	vst v5  }
0xf5: {  	v9 =	vld [tilespmem:s15+$0xFFFFFFC0];
	[tilespmem:s12+$0xFFFFFFD0] =	vst v6;
	s12 =	smov.u32 s15  }
0xf6: {  	v4 =	vld.idx.msk [tilespmem:v7+s26+$0x0], $0xffff  }
0xf7: {  	v12 =	vld [tilespmem:s15+$0xFFFFFFE0]  }
0xf8: {  	v5 =	vld [tilespmem:s15+$0x20]  }
.Ltmp1:
0xf9: {  	v6 =	vld [tilespmem:s15+$0xFFFFFFD0];
	(pc) =	sbr.rel @p0 .LBB2_5-.Ltmp1, $3  }
0xfa: {  	v7 =	vld [tilespmem:s15+$0x0];
	_ =	sdelay $0x1  }
0xfb: {  	v9 =	vmul.f32 v9, v4;
	v11 =	vmul.f32 v8, v4  }
0xfc: {  	v10 =	vmul.f32 v10, v4;
	v8 =	vmul.f32 v12, v4  }
0xfd: {  	[tilespmem:s12+$0x30] =	vst v11  }
0xfe: {  	[tilespmem:s12+$0xFFFFFFC0] =	vst v9  }
0xff: {  	v3 =	vmul.f32 v3, v4;
	[tilespmem:s12+$0x10] =	vst v10  }
0x100: {  	v5 =	vmul.f32 v5, v4;
	[tilespmem:s12+$0xFFFFFFE0] =	vst v8  }
0x101: {  	v7 =	vmul.f32 v7, v4;
	[tilespmem:s12+$0xFFFFFFF0] =	vst v3  }
0x102: {  	v3 =	vmul.f32 v6, v4;
	[tilespmem:s12+$0x20] =	vst v5  }
0x103: {  	[tilespmem:s12+$0x0] =	vst v7  }
0x104: {  	[tilespmem:s12+$0xFFFFFFD0] =	vst v3  }
0x105: {  	[spmem:s1] =	stream.indirect.scatter.add.f32 [tilespmem:s25], [sflag:$0x2], $0x80, s29, s30, $0xb8;
	[tilespmem:$0x1B380] =	vst v63  }
0x106: {  	s10 =	sadd.s32 $0x1, s10;
	_ =	swait.ge [sflag:s23], $0x2000  }
0x107: {  	p0 =	sne.s32 s10, $0x143;
	[sflag:s23] =	ssyncset.done $0x0  }
.Ltmp2:
0x108: {  	[sflag:s23] =	ssyncadd.s32 $0xFFFFE000;
	(pc) =	sbr.rel @p0 .LBB2_4-.Ltmp2, $4  }
0x109: {  	[spmem:s2] =	stream.indirect.scatter.add.f32 [tilespmem:s26], [sflag:$0x2], $0x1, s29, s30, $0xb8;
	[tilespmem:$0x1B380] =	vst v63  }
0x10a: {  	_ =	swait.ge [sflag:s23], $0x40  }
0x10b: {  	[sflag:s23] =	ssyncset.done $0x0  }
0x10c: {  	[sflag:s23] =	ssyncadd.s32 $0xFFFFFFC0  }
0x10d: {  	[bflag:$0x0] =	sbarrier.arrive $0xFFFF;
	s4 =	simm.s32 $0x0;
	s10 =	simm.s32 $0x0  }
.LBB2_8:
0x10e: {  	s12 =	sshll.u32 s10, $0x6  }
0x10f: {  	s12 =	sadd.s32 s7, s12  }
0x110: {  	s13 =	sshll.u32 s12, $0x7  }
0x111: {  	s13 =	sand.u32 $0x3FFFFF80, s13  }
0x112: {  	s13 =	sadd.s32 s13, s1  }
0x113: {  	[tilespmem:s25], [sflag:$0x2] =	stream.linear.gather [spmem:s13], $0x2000, $0x38;
	[tilespmem:$0x1B380] =	vst v63  }
0x114: {  	_ =	swait.ge [sflag:s23], $0x2000  }
0x115: {  	[sflag:s23] =	ssyncset.done $0x0  }
0x116: {  	v3 =	vmov s4;
	s16 =	sadd.s32 s12, s2;
	[sflag:s23] =	ssyncadd.s32 $0xFFFFE000  }
0x117: {  	[tilespmem:s26], [sflag:$0x2] =	stream.linear.gather [spmem:s16], $0x40, $0x38;
	[tilespmem:$0x1B380] =	vst v63  }
0x118: {  	_ =	swait.ge [sflag:s23], $0x40  }
0x119: {  	[sflag:s23] =	ssyncset.done $0x0  }
0x11a: {  	[sflag:s23] =	ssyncadd.s32 $0xFFFFFFC0  }
0x11b: {  	v3 =	vld.idx.msk [tilespmem:v3+s26+$0x0], $0xffff;
	_ =	sdelay $0x4  }
0x11c: {  	v3 =	vadd.f32 $1.000000020e-16, v3;
	_ =	sdelay $0x1  }
0x11d: {  	(erf) = vrcp.f32 v3;
	_ =	sdelay $0x3  }
0x11e: {  	s13 =	simm.s32 $0x192C0  }
0x11f: {  	v3 =	vld [tilespmem:s13+$0xFFFFFFC0];
	_ =	sdelay $0x1  }
0x120: {  	v4 =	vld [tilespmem:$0x1B300];
	_ =	sdelay $0x1  }
0x121: {  	v5 =	vpop (erf)  }
0x122: {  	v3 =	vmul.f32 v5, v3;
	_ =	sdelay $0x1  }
0x123: {  	v3 =	vadd.f32 v3, v4  }
0x124: {  	v4 =	vld [tilespmem:s13+$0xFFFFFFD0]  }
0x125: {  	[tilespmem:s13+$0xFFFFFFC0] =	vst v3  }
0x126: {  	v3 =	vld [tilespmem:$0x1B310];
	_ =	sdelay $0x2  }
0x127: {  	v4 =	vmul.f32 v4, v5;
	_ =	sdelay $0x1  }
0x128: {  	v3 =	vadd.f32 v3, v4  }
0x129: {  	v4 =	vld [tilespmem:s13+$0xFFFFFFE0]  }
0x12a: {  	[tilespmem:s13+$0xFFFFFFD0] =	vst v3  }
0x12b: {  	v3 =	vld [tilespmem:$0x1B320];
	_ =	sdelay $0x2  }
0x12c: {  	v4 =	vmul.f32 v4, v5;
	_ =	sdelay $0x1  }
0x12d: {  	v3 =	vadd.f32 v3, v4  }
0x12e: {  	v4 =	vld [tilespmem:s13+$0xFFFFFFF0]  }
0x12f: {  	[tilespmem:s13+$0xFFFFFFE0] =	vst v3  }
0x130: {  	v3 =	vld [tilespmem:$0x1B330];
	_ =	sdelay $0x2  }
0x131: {  	v4 =	vmul.f32 v4, v5;
	_ =	sdelay $0x1  }
0x132: {  	v3 =	vadd.f32 v3, v4  }
0x133: {  	v4 =	vld [tilespmem:s13+$0x0]  }
0x134: {  	[tilespmem:s13+$0xFFFFFFF0] =	vst v3  }
0x135: {  	v3 =	vld [tilespmem:$0x1B340];
	_ =	sdelay $0x2  }
0x136: {  	v4 =	vmul.f32 v4, v5;
	_ =	sdelay $0x1  }
0x137: {  	v3 =	vadd.f32 v3, v4  }
0x138: {  	v4 =	vld [tilespmem:s13+$0x10]  }
0x139: {  	[tilespmem:s13+$0x0] =	vst v3  }
0x13a: {  	v3 =	vld [tilespmem:$0x1B350];
	_ =	sdelay $0x2  }
0x13b: {  	v4 =	vmul.f32 v4, v5;
	_ =	sdelay $0x1  }
0x13c: {  	v3 =	vadd.f32 v3, v4  }
0x13d: {  	v4 =	vld [tilespmem:s13+$0x20]  }
0x13e: {  	[tilespmem:s13+$0x10] =	vst v3  }
0x13f: {  	v3 =	vld [tilespmem:$0x1B360];
	_ =	sdelay $0x2  }
0x140: {  	v4 =	vmul.f32 v4, v5;
	_ =	sdelay $0x1  }
0x141: {  	v3 =	vadd.f32 v3, v4  }
0x142: {  	v4 =	vld [tilespmem:s13+$0x30]  }
0x143: {  	[tilespmem:s13+$0x20] =	vst v3  }
0x144: {  	v6 =	vld [tilespmem:$0x1B370];
	_ =	sdelay $0x1  }
0x145: {  	s16 =	simm.s32 $0x1  }
0x146: {  	v3 =	vmov s16;
	v4 =	vmul.f32 v4, v5;
	_ =	sdelay $0x1  }
0x147: {  	s15 =	simm.s32 $0x2;
	v4 =	vadd.f32 v6, v4  }
.LBB2_9:
0x148: {  	p0 =	sne.s32 s15, $0x3F  }
0x149: {  	s16 =	smov.u32 s15;
	s15 =	sadd.s32 $0x1, s15;
	[tilespmem:s13+$0x30] =	vst v4;
	s13 =	sadd.s32 $0x80, s13  }
0x14a: {  	v3 =	vld.idx.msk [tilespmem:v3+s26+$0x0], $0xffff;
	_ =	sdelay $0x5  }
0x14b: {  	v3 =	vadd.f32 $1.000000020e-16, v3;
	_ =	sdelay $0x1  }
0x14c: {  	(erf) = vrcp.f32 v3;
	_ =	sdelay $0x4  }
0x14d: {  	v3 =	vld [tilespmem:s13+$0xFFFFFFC0];
	_ =	sdelay $0x1  }
0x14e: {  	v4 =	vld [tilespmem:$0x1B300];
	_ =	sdelay $0x1  }
0x14f: {  	v5 =	vpop (erf)  }
0x150: {  	v3 =	vmul.f32 v5, v3;
	_ =	sdelay $0x1  }
0x151: {  	v3 =	vadd.f32 v3, v4  }
0x152: {  	v4 =	vld [tilespmem:s13+$0xFFFFFFD0]  }
0x153: {  	[tilespmem:s13+$0xFFFFFFC0] =	vst v3  }
0x154: {  	v3 =	vld [tilespmem:$0x1B310];
	_ =	sdelay $0x2  }
0x155: {  	v4 =	vmul.f32 v4, v5;
	_ =	sdelay $0x1  }
0x156: {  	v3 =	vadd.f32 v3, v4  }
0x157: {  	v4 =	vld [tilespmem:s13+$0xFFFFFFE0]  }
0x158: {  	[tilespmem:s13+$0xFFFFFFD0] =	vst v3  }
0x159: {  	v3 =	vld [tilespmem:$0x1B320];
	_ =	sdelay $0x2  }
0x15a: {  	v4 =	vmul.f32 v4, v5;
	_ =	sdelay $0x1  }
0x15b: {  	v3 =	vadd.f32 v3, v4  }
0x15c: {  	v4 =	vld [tilespmem:s13+$0xFFFFFFF0]  }
0x15d: {  	[tilespmem:s13+$0xFFFFFFE0] =	vst v3  }
0x15e: {  	v3 =	vld [tilespmem:$0x1B330];
	_ =	sdelay $0x2  }
0x15f: {  	v4 =	vmul.f32 v4, v5;
	_ =	sdelay $0x1  }
0x160: {  	v3 =	vadd.f32 v3, v4  }
0x161: {  	v4 =	vld [tilespmem:s13+$0x0]  }
0x162: {  	[tilespmem:s13+$0xFFFFFFF0] =	vst v3  }
0x163: {  	v3 =	vld [tilespmem:$0x1B340];
	_ =	sdelay $0x2  }
0x164: {  	v4 =	vmul.f32 v4, v5;
	_ =	sdelay $0x1  }
0x165: {  	v3 =	vadd.f32 v3, v4  }
0x166: {  	v4 =	vld [tilespmem:s13+$0x10]  }
0x167: {  	[tilespmem:s13+$0x0] =	vst v3  }
0x168: {  	v3 =	vld [tilespmem:$0x1B350];
	_ =	sdelay $0x2  }
0x169: {  	v4 =	vmul.f32 v4, v5;
	_ =	sdelay $0x1  }
0x16a: {  	v3 =	vadd.f32 v3, v4  }
0x16b: {  	v4 =	vld [tilespmem:s13+$0x20]  }
0x16c: {  	[tilespmem:s13+$0x10] =	vst v3  }
0x16d: {  	v3 =	vld [tilespmem:$0x1B360];
	_ =	sdelay $0x2  }
0x16e: {  	v4 =	vmul.f32 v4, v5;
	_ =	sdelay $0x1  }
0x16f: {  	v3 =	vadd.f32 v3, v4  }
0x170: {  	v4 =	vld [tilespmem:s13+$0x30]  }
0x171: {  	[tilespmem:s13+$0x20] =	vst v3  }
0x172: {  	v6 =	vld [tilespmem:$0x1B370]  }
.Ltmp3:
0x173: {  	(pc) =	sbr.rel @p0 .LBB2_9-.Ltmp3, $3  }
0x174: {  	_ = 	snop  }
0x175: {  	v3 =	vmov s16;
	v4 =	vmul.f32 v4, v5;
	_ =	sdelay $0x1  }
0x176: {  	v4 =	vadd.f32 v6, v4  }
0x177: {  	_ =	sdelay $0x2  }
0x178: {  	[tilespmem:s13+$0x30] =	vst v4  }
0x179: {  	v3 =	vld.idx.msk [tilespmem:v3+s26+$0x0], $0xffff;
	_ =	sdelay $0x4  }
0x17a: {  	v3 =	vadd.f32 $1.000000020e-16, v3;
	_ =	sdelay $0x1  }
0x17b: {  	(erf) = vrcp.f32 v3;
	_ =	sdelay $0x3  }
0x17c: {  	s16 =	sadd.s32 $0x80, s13  }
0x17d: {  	v3 =	vld [tilespmem:s16+$0xFFFFFFC0];
	_ =	sdelay $0x1  }
0x17e: {  	v4 =	vld [tilespmem:$0x1B300];
	_ =	sdelay $0x1  }
0x17f: {  	v5 =	vpop (erf)  }
0x180: {  	v3 =	vmul.f32 v5, v3;
	_ =	sdelay $0x1  }
0x181: {  	v3 =	vadd.f32 v3, v4  }
0x182: {  	v57 =	vld [tilespmem:s16+$0xFFFFFFD0]  }
0x183: {  	[tilespmem:s16+$0xFFFFFFC0] =	vst v3  }
0x184: {  	v3 =	vld [tilespmem:$0x1B310];
	_ =	sdelay $0x2  }
0x185: {  	v4 =	vmul.f32 v57, v5;
	_ =	sdelay $0x1  }
0x186: {  	v3 =	vadd.f32 v3, v4  }
0x187: {  	v58 =	vld [tilespmem:s16+$0xFFFFFFE0]  }
0x188: {  	[tilespmem:s16+$0xFFFFFFD0] =	vst v3  }
0x189: {  	v3 =	vld [tilespmem:$0x1B320];
	_ =	sdelay $0x2  }
0x18a: {  	v4 =	vmul.f32 v58, v5;
	_ =	sdelay $0x1  }
0x18b: {  	v3 =	vadd.f32 v3, v4  }
0x18c: {  	v59 =	vld [tilespmem:s16+$0xFFFFFFF0]  }
0x18d: {  	[tilespmem:s16+$0xFFFFFFE0] =	vst v3  }
0x18e: {  	v3 =	vld [tilespmem:$0x1B330];
	_ =	sdelay $0x2  }
0x18f: {  	v4 =	vmul.f32 v59, v5;
	_ =	sdelay $0x1  }
0x190: {  	v3 =	vadd.f32 v3, v4  }
0x191: {  	v60 =	vld [tilespmem:s16+$0x0]  }
0x192: {  	[tilespmem:s16+$0xFFFFFFF0] =	vst v3  }
0x193: {  	v3 =	vld [tilespmem:$0x1B340];
	_ =	sdelay $0x2  }
0x194: {  	v4 =	vmul.f32 v60, v5;
	_ =	sdelay $0x1  }
0x195: {  	v3 =	vadd.f32 v3, v4  }
0x196: {  	v61 =	vld [tilespmem:s16+$0x10]  }
0x197: {  	[tilespmem:s16+$0x0] =	vst v3  }
0x198: {  	v3 =	vld [tilespmem:$0x1B350];
	_ =	sdelay $0x2  }
0x199: {  	v4 =	vmul.f32 v61, v5;
	_ =	sdelay $0x1  }
0x19a: {  	v3 =	vadd.f32 v3, v4  }
0x19b: {  	v62 =	vld [tilespmem:s16+$0x20]  }
0x19c: {  	[tilespmem:s16+$0x10] =	vst v3  }
0x19d: {  	v3 =	vld [tilespmem:$0x1B360];
	_ =	sdelay $0x2  }
0x19e: {  	v4 =	vmul.f32 v62, v5;
	_ =	sdelay $0x1  }
0x19f: {  	v3 =	vadd.f32 v3, v4  }
0x1a0: {  	v63 =	vld [tilespmem:s16+$0x30]  }
0x1a1: {  	[tilespmem:s16+$0x20] =	vst v3  }
0x1a2: {  	v3 =	vld [tilespmem:$0x1B370];
	_ =	sdelay $0x2  }
0x1a3: {  	v4 =	vmul.f32 v63, v5;
	_ =	sdelay $0x1  }
0x1a4: {  	s12 =	sadd.s32 s11, s12;
	s10 =	sadd.s32 $0x1, s10;
	v3 =	vadd.f32 v3, v4  }
0x1a5: {  	s12 =	sshll.u32 s12, $0x4;
	p0 =	sne.s32 s10, $0xA  }
.Ltmp4:
0x1a6: {  	s12 =	sadd.s32 s9, s12;
	[tilespmem:s16+$0x30] =	vst v3;
	(pc) =	sbr.rel @p0 .LBB2_8-.Ltmp4, $4  }
0x1a7: {  	[hbm4b:s12+s3] =	stream.linear.scatter [tilespmem:s25], [sflag:$0x2], $0x2000, $0x38;
	[tilespmem:$0x1B380] =	vst v63  }
0x1a8: {  	_ =	swait.ge [sflag:s23], $0x2000  }
0x1a9: {  	[sflag:s23] =	ssyncset.done $0x0  }
0x1aa: {  	[sflag:s23] =	ssyncadd.s32 $0xFFFFE000  }
0x1ab: {  	[bflag:$0x0] =	sbarrier.arrive $0xFFFF  }
0x1ac: {  	s4 =	simm.s32 $0x0;
	s10 =	rddreg [dreg:$0x9]  }
0x1ad: {  	[tilespmem:s22], [sflag:$0x2] =	stream.linear.gather [hbm4b:s10+s4], $0x2720, $0x38;
	[tilespmem:$0x1B380] =	vst v63  }
0x1ae: {  	_ =	swait.ge [sflag:s23], $0x2720  }
0x1af: {  	[sflag:s23] =	ssyncset.done $0x0  }
0x1b0: {  	s15 =	rddreg [dreg:$0xa];
	[sflag:s23] =	ssyncadd.s32 $0xFFFFD8E0  }
0x1b1: {  	[tilespmem:s24], [sflag:$0x2] =	stream.linear.gather [hbm4b:s15+s4], $0x2720, $0x38;
	[tilespmem:$0x1B380] =	vst v63  }
0x1b2: {  	_ =	swait.ge [sflag:s23], $0x2720  }
0x1b3: {  	[sflag:s23] =	ssyncset.done $0x0  }
0x1b4: {  	s12 =	simm.s32 $0x1B300;
	s16 =	rddreg [dreg:$0xb];
	[sflag:s23] =	ssyncadd.s32 $0xFFFFD8E0  }
0x1b5: {  	[tilespmem:s12], [sflag:$0x2] =	stream.linear.gather [hbm4b:s16+s4], $0x80, $0x38;
	[tilespmem:$0x1B380] =	vst v63  }
0x1b6: {  	_ =	swait.ge [sflag:s23], $0x80  }
0x1b7: {  	[sflag:s23] =	ssyncset.done $0x0  }
0x1b8: {  	s10 =	simm.s32 $0x200;
	s4 =	simm.s32 $0x0;
	[sflag:s23] =	ssyncadd.s32 $0xFFFFFF80  }
.LBB2_12:
0x1b9: {  	p0 =	sne.s32 s10, $0x7E00;
	[tilespmem:s4+$0x192F0] =	vst v2  }
0x1ba: {  	[tilespmem:s4+$0x19280] =	vst v2  }
0x1bb: {  	[tilespmem:s4+$0x19290] =	vst v2  }
.Ltmp5:
0x1bc: {  	[tilespmem:s4+$0x192A0] =	vst v2;
	(pc) =	sbr.rel @p0 .LBB2_12-.Ltmp5, $4  }
0x1bd: {  	[tilespmem:s4+$0x192B0] =	vst v2  }
0x1be: {  	[tilespmem:s4+$0x192C0] =	vst v2  }
0x1bf: {  	[tilespmem:s4+$0x192D0] =	vst v2  }
0x1c0: {  	[tilespmem:s4+$0x192E0] =	vst v2;
	s4 =	sshra.s32 s10, $0x2;
	s10 =	sadd.s32 $0x200, s10  }
0x1c1: {  	[tilespmem:s4+$0x192F0] =	vst v2  }
0x1c2: {  	[tilespmem:s4+$0x19280] =	vst v2  }
0x1c3: {  	[tilespmem:s4+$0x19290] =	vst v2  }
0x1c4: {  	[tilespmem:s4+$0x192A0] =	vst v2  }
0x1c5: {  	[tilespmem:s4+$0x192B0] =	vst v2  }
0x1c6: {  	[tilespmem:s4+$0x192C0] =	vst v2  }
0x1c7: {  	[tilespmem:s4+$0x192D0] =	vst v2  }
0x1c8: {  	[tilespmem:s4+$0x192E0] =	vst v2  }
0x1c9: {  	[tilespmem:$0x1B280] =	vst v2  }
0x1ca: {  	[tilespmem:$0x1B290] =	vst v2  }
0x1cb: {  	[tilespmem:$0x1B2A0] =	vst v2  }
0x1cc: {  	s15 =	rddreg [dreg:$0xd];
	[tilespmem:$0x1B2B0] =	vst v2  }
0x1cd: {  	[spmem:s15] =	stream.linear.scatter [tilespmem:s25], [sflag:$0x2], $0x2000, $0x38;
	[tilespmem:$0x1B380] =	vst v63  }
0x1ce: {  	_ =	swait.ge [sflag:s23], $0x2000  }
0x1cf: {  	[sflag:s23] =	ssyncset.done $0x0  }
0x1d0: {  	[sflag:s23] =	ssyncadd.s32 $0xFFFFE000  }
0x1d1: {  	[spmem:s21] =	stream.linear.scatter [tilespmem:s26], [sflag:$0x2], $0x40, $0x38;
	[tilespmem:$0x1B380] =	vst v63  }
0x1d2: {  	_ =	swait.ge [sflag:s23], $0x40  }
0x1d3: {  	[sflag:s23] =	ssyncset.done $0x0  }
0x1d4: {  	s16 =	rddreg [dreg:$0xe];
	[sflag:s23] =	ssyncadd.s32 $0xFFFFFFC0  }
0x1d5: {  	[spmem:s16] =	stream.linear.scatter [tilespmem:s25], [sflag:$0x2], $0x2000, $0x38;
	[tilespmem:$0x1B380] =	vst v63  }
0x1d6: {  	_ =	swait.ge [sflag:s23], $0x2000  }
0x1d7: {  	[sflag:s23] =	ssyncset.done $0x0  }
0x1d8: {  	s10 =	rddreg [dreg:$0xf];
	[sflag:s23] =	ssyncadd.s32 $0xFFFFE000  }
0x1d9: {  	[spmem:s10] =	stream.linear.scatter [tilespmem:s26], [sflag:$0x2], $0x40, $0x38;
	[tilespmem:$0x1B380] =	vst v63  }
0x1da: {  	_ =	swait.ge [sflag:s23], $0x40  }
0x1db: {  	[sflag:s23] =	ssyncset.done $0x0  }
0x1dc: {  	s12 =	rddreg [dreg:$0x10];
	[sflag:s23] =	ssyncadd.s32 $0xFFFFFFC0  }
0x1dd: {  	[spmem:s12] =	stream.linear.scatter [tilespmem:s25], [sflag:$0x2], $0x2000, $0x38;
	[tilespmem:$0x1B380] =	vst v63  }
0x1de: {  	_ =	swait.ge [sflag:s23], $0x2000  }
0x1df: {  	[sflag:s23] =	ssyncset.done $0x0  }
0x1e0: {  	s13 =	rddreg [dreg:$0x11];
	[sflag:s23] =	ssyncadd.s32 $0xFFFFE000  }
0x1e1: {  	[spmem:s13] =	stream.linear.scatter [tilespmem:s26], [sflag:$0x2], $0x40, $0x38;
	[tilespmem:$0x1B380] =	vst v63  }
0x1e2: {  	_ =	swait.ge [sflag:s23], $0x40  }
0x1e3: {  	[sflag:s23] =	ssyncset.done $0x0  }
0x1e4: {  	s15 =	rddreg [dreg:$0x12];
	[sflag:s23] =	ssyncadd.s32 $0xFFFFFFC0  }
0x1e5: {  	[spmem:s15] =	stream.linear.scatter [tilespmem:s25], [sflag:$0x2], $0x2000, $0x38;
	[tilespmem:$0x1B380] =	vst v63  }
0x1e6: {  	_ =	swait.ge [sflag:s23], $0x2000  }
0x1e7: {  	[sflag:s23] =	ssyncset.done $0x0  }
0x1e8: {  	s16 =	rddreg [dreg:$0x13];
	[sflag:s23] =	ssyncadd.s32 $0xFFFFE000  }
0x1e9: {  	[spmem:s16] =	stream.linear.scatter [tilespmem:s26], [sflag:$0x2], $0x40, $0x38;
	[tilespmem:$0x1B380] =	vst v63  }
0x1ea: {  	_ =	swait.ge [sflag:s23], $0x40  }
0x1eb: {  	[sflag:s23] =	ssyncset.done $0x0  }
0x1ec: {  	s10 =	rddreg [dreg:$0x14];
	[sflag:s23] =	ssyncadd.s32 $0xFFFFFFC0  }
0x1ed: {  	[spmem:s10] =	stream.linear.scatter [tilespmem:s25], [sflag:$0x2], $0x2000, $0x38;
	[tilespmem:$0x1B380] =	vst v63  }
0x1ee: {  	_ =	swait.ge [sflag:s23], $0x2000  }
0x1ef: {  	[sflag:s23] =	ssyncset.done $0x0  }
0x1f0: {  	s12 =	rddreg [dreg:$0x15];
	[sflag:s23] =	ssyncadd.s32 $0xFFFFE000  }
0x1f1: {  	[spmem:s12] =	stream.linear.scatter [tilespmem:s26], [sflag:$0x2], $0x40, $0x38;
	[tilespmem:$0x1B380] =	vst v63  }
0x1f2: {  	_ =	swait.ge [sflag:s23], $0x40  }
0x1f3: {  	[sflag:s23] =	ssyncset.done $0x0  }
0x1f4: {  	s13 =	rddreg [dreg:$0x16];
	[sflag:s23] =	ssyncadd.s32 $0xFFFFFFC0  }
0x1f5: {  	[spmem:s13] =	stream.linear.scatter [tilespmem:s25], [sflag:$0x2], $0x2000, $0x38;
	[tilespmem:$0x1B380] =	vst v63  }
0x1f6: {  	_ =	swait.ge [sflag:s23], $0x2000  }
0x1f7: {  	[sflag:s23] =	ssyncset.done $0x0  }
0x1f8: {  	s15 =	rddreg [dreg:$0x17];
	[sflag:s23] =	ssyncadd.s32 $0xFFFFE000  }
0x1f9: {  	[spmem:s15] =	stream.linear.scatter [tilespmem:s26], [sflag:$0x2], $0x40, $0x38;
	[tilespmem:$0x1B380] =	vst v63  }
0x1fa: {  	_ =	swait.ge [sflag:s23], $0x40  }
0x1fb: {  	[sflag:s23] =	ssyncset.done $0x0  }
0x1fc: {  	s16 =	rddreg [dreg:$0x18];
	[sflag:s23] =	ssyncadd.s32 $0xFFFFFFC0  }
0x1fd: {  	[spmem:s16] =	stream.linear.scatter [tilespmem:s25], [sflag:$0x2], $0x2000, $0x38;
	[tilespmem:$0x1B380] =	vst v63  }
0x1fe: {  	_ =	swait.ge [sflag:s23], $0x2000  }
0x1ff: {  	[sflag:s23] =	ssyncset.done $0x0  }
0x200: {  	s10 =	rddreg [dreg:$0x19];
	[sflag:s23] =	ssyncadd.s32 $0xFFFFE000  }
0x201: {  	[spmem:s10] =	stream.linear.scatter [tilespmem:s26], [sflag:$0x2], $0x40, $0x38;
	[tilespmem:$0x1B380] =	vst v63  }
0x202: {  	_ =	swait.ge [sflag:s23], $0x40  }
0x203: {  	[sflag:s23] =	ssyncset.done $0x0  }
0x204: {  	s12 =	rddreg [dreg:$0x1a];
	[sflag:s23] =	ssyncadd.s32 $0xFFFFFFC0  }
0x205: {  	[spmem:s12] =	stream.linear.scatter [tilespmem:s25], [sflag:$0x2], $0x2000, $0x38;
	[tilespmem:$0x1B380] =	vst v63  }
0x206: {  	_ =	swait.ge [sflag:s23], $0x2000  }
0x207: {  	[sflag:s23] =	ssyncset.done $0x0  }
0x208: {  	s13 =	rddreg [dreg:$0x1b];
	[sflag:s23] =	ssyncadd.s32 $0xFFFFE000  }
0x209: {  	[spmem:s13] =	stream.linear.scatter [tilespmem:s26], [sflag:$0x2], $0x40, $0x38;
	[tilespmem:$0x1B380] =	vst v63  }
0x20a: {  	_ =	swait.ge [sflag:s23], $0x40  }
0x20b: {  	[sflag:s23] =	ssyncset.done $0x0  }
0x20c: {  	s15 =	rddreg [dreg:$0x1c];
	[sflag:s23] =	ssyncadd.s32 $0xFFFFFFC0  }
0x20d: {  	[spmem:s15] =	stream.linear.scatter [tilespmem:s25], [sflag:$0x2], $0x2000, $0x38;
	[tilespmem:$0x1B380] =	vst v63  }
0x20e: {  	_ =	swait.ge [sflag:s23], $0x2000  }
0x20f: {  	[sflag:s23] =	ssyncset.done $0x0  }
0x210: {  	s16 =	rddreg [dreg:$0x1d];
	[sflag:s23] =	ssyncadd.s32 $0xFFFFE000  }
0x211: {  	[spmem:s16] =	stream.linear.scatter [tilespmem:s26], [sflag:$0x2], $0x40, $0x38;
	[tilespmem:$0x1B380] =	vst v63  }
0x212: {  	_ =	swait.ge [sflag:s23], $0x40  }
0x213: {  	[sflag:s23] =	ssyncset.done $0x0  }
0x214: {  	[sflag:s23] =	ssyncadd.s32 $0xFFFFFFC0  }
0x215: {  	[spmem:s17] =	stream.linear.scatter [tilespmem:s25], [sflag:$0x2], $0x2000, $0x38;
	[tilespmem:$0x1B380] =	vst v63  }
0x216: {  	_ =	swait.ge [sflag:s23], $0x2000  }
0x217: {  	[sflag:s23] =	ssyncset.done $0x0  }
0x218: {  	[sflag:s23] =	ssyncadd.s32 $0xFFFFE000  }
0x219: {  	[spmem:s20] =	stream.linear.scatter [tilespmem:s26], [sflag:$0x2], $0x40, $0x38;
	[tilespmem:$0x1B380] =	vst v63  }
0x21a: {  	_ =	swait.ge [sflag:s23], $0x40  }
0x21b: {  	[sflag:s23] =	ssyncset.done $0x0  }
0x21c: {  	[sflag:s23] =	ssyncadd.s32 $0xFFFFFFC0  }
0x21d: {  	s4 =	simm.s32 $0x0;
	s10 =	simm.s32 $0x0;
	[bflag:$0x0] =	sbarrier.arrive $0xFFFF  }
.LBB2_14:
0x21e: {  	s12 =	sshll.u32 s10, $0x6  }
0x21f: {  	s12 =	sadd.s32 s12, s18  }
0x220: {  	s12 =	sshrl.u32 s12, $0x3  }
0x221: {  	s13 =	sadd.s32 s6, s12  }
0x222: {  	[tilespmem:s28], [sflag:$0x2] =	stream.linear.gather [hbm4b:s13+s4], $0x40, $0x38;
	[tilespmem:$0x1B380] =	vst v63  }
0x223: {  	_ =	swait.ge [sflag:s23], $0x40  }
0x224: {  	[sflag:s23] =	ssyncset.done $0x0  }
0x225: {  	s12 =	sadd.s32 s8, s12;
	[sflag:s23] =	ssyncadd.s32 $0xFFFFFFC0  }
0x226: {  	[tilespmem:s29], [sflag:$0x2] =	stream.linear.gather [hbm4b:s12+s4], $0x40, $0x38;
	[tilespmem:$0x1B380] =	vst v63  }
0x227: {  	_ =	swait.ge [sflag:s23], $0x40  }
0x228: {  	[sflag:s23] =	ssyncset.done $0x0  }
0x229: {  	[sflag:s23] =	ssyncadd.s32 $0xFFFFFFC0  }
0x22a: {  	[tilespmem:s25], [sflag:$0x1] =	stream.indirect.gather [hbm4b:s5+s30], $0x80, s28, s30, $0xb8;
	[tilespmem:$0x1B380] =	vst v63  }
0x22b: {  	_ =	swait.ge [sflag:s31], $0x2000  }
0x22c: {  	[sflag:s31] =	ssyncset.done $0x0  }
0x22d: {  	[sflag:s31] =	ssyncadd.s32 $0xFFFFE000  }
0x22e: {  	v3 =	vld [tilespmem:$0x19180]  }
0x22f: {  	v4 =	vld [tilespmem:$0x19200];
	_ =	sdelay $0x3  }
0x230: {  	v3 =	vadd.s32 v1, v3;
	_ =	sdelay $0x3  }
0x231: {  	v4 =	vld.idx.msk [tilespmem:v4+s24+$0x0], $0xffff  }
0x232: {  	v3 =	vld.idx.msk [tilespmem:v3+s22+$0x0], $0xffff;
	_ =	sdelay $0x4  }
0x233: {  	v3 =	vadd.f32 v4, v3;
	_ =	sdelay $0x1  }
0x234: {  	v4 =	vmul.f32 $2.000000030e-01, v3  }
0x235: {  	vm0 =	vge.f32 v3, $0.0e+00  }
0x236: {  	v3 =	vsel vm0, v3, v4  }
0x237: {  	v3 =	vmul.f32 $1.442695020e+00, v3;
	_ =	sdelay $0x1  }
0x238: {  	(erf) = vpow2.f32 v3  }
0x239: {  	v3 =	vld [tilespmem:$0x19190];
	_ =	sdelay $0x2  }
0x23a: {  	v4 =	vld [tilespmem:$0x19210];
	_ =	sdelay $0x1  }
0x23b: {  	v3 =	vadd.s32 v1, v3;
	_ =	sdelay $0x2  }
0x23c: {  	v5 =	vpop (erf)  }
0x23d: {  	[tilespmem:$0x1B280] =	vst v5  }
0x23e: {  	v3 =	vld.idx.msk [tilespmem:v3+s22+$0x0], $0xffff  }
0x23f: {  	v4 =	vld.idx.msk [tilespmem:v4+s24+$0x0], $0xffff;
	_ =	sdelay $0x4  }
0x240: {  	v3 =	vadd.f32 v4, v3;
	_ =	sdelay $0x1  }
0x241: {  	v4 =	vmul.f32 $2.000000030e-01, v3  }
0x242: {  	vm13 =	vge.f32 v3, $0.0e+00  }
0x243: {  	v3 =	vsel vm13, v3, v4  }
0x244: {  	v3 =	vmul.f32 $1.442695020e+00, v3;
	_ =	sdelay $0x1  }
0x245: {  	(erf) = vpow2.f32 v3  }
0x246: {  	v3 =	vld [tilespmem:$0x191A0];
	_ =	sdelay $0x2  }
0x247: {  	v4 =	vld [tilespmem:$0x19220];
	_ =	sdelay $0x1  }
0x248: {  	v3 =	vadd.s32 v1, v3;
	_ =	sdelay $0x2  }
0x249: {  	v5 =	vpop (erf)  }
0x24a: {  	[tilespmem:$0x1B290] =	vst v5  }
0x24b: {  	v3 =	vld.idx.msk [tilespmem:v3+s22+$0x0], $0xffff  }
0x24c: {  	v4 =	vld.idx.msk [tilespmem:v4+s24+$0x0], $0xffff;
	_ =	sdelay $0x4  }
0x24d: {  	v3 =	vadd.f32 v4, v3;
	_ =	sdelay $0x1  }
0x24e: {  	v4 =	vmul.f32 $2.000000030e-01, v3  }
0x24f: {  	vm14 =	vge.f32 v3, $0.0e+00  }
0x250: {  	v3 =	vsel vm14, v3, v4  }
0x251: {  	v3 =	vmul.f32 $1.442695020e+00, v3;
	_ =	sdelay $0x1  }
0x252: {  	(erf) = vpow2.f32 v3  }
0x253: {  	v3 =	vld [tilespmem:$0x191B0];
	_ =	sdelay $0x2  }
0x254: {  	v4 =	vld [tilespmem:$0x19230];
	_ =	sdelay $0x1  }
0x255: {  	v3 =	vadd.s32 v1, v3;
	_ =	sdelay $0x2  }
0x256: {  	v5 =	vpop (erf)  }
0x257: {  	[tilespmem:$0x1B2A0] =	vst v5  }
0x258: {  	v3 =	vld.idx.msk [tilespmem:v3+s22+$0x0], $0xffff  }
0x259: {  	v4 =	vld.idx.msk [tilespmem:v4+s24+$0x0], $0xffff;
	_ =	sdelay $0x4  }
0x25a: {  	v3 =	vadd.f32 v4, v3;
	_ =	sdelay $0x1  }
0x25b: {  	v4 =	vmul.f32 $2.000000030e-01, v3  }
0x25c: {  	vm15 =	vge.f32 v3, $0.0e+00  }
0x25d: {  	v3 =	vsel vm15, v3, v4  }
0x25e: {  	v3 =	vmul.f32 $1.442695020e+00, v3;
	_ =	sdelay $0x1  }
0x25f: {  	(erf) = vpow2.f32 v3;
	_ =	sdelay $0x8  }
0x260: {  	v4 =	vmov s4;
	v3 =	vpop (erf)  }
0x261: {  	s12 =	simm.s32 $0x192C0;
	[tilespmem:$0x1B2B0] =	vst v3  }
0x262: {  	v7 =	vld [tilespmem:s12+$0x30]  }
0x263: {  	v10 =	vld [tilespmem:s12+$0x10]  }
0x264: {  	v8 =	vld [tilespmem:s12+$0xFFFFFFC0]  }
0x265: {  	v4 =	vld.idx.msk [tilespmem:v4+s26+$0x0], $0xffff  }
0x266: {  	v12 =	vld [tilespmem:s12+$0xFFFFFFE0]  }
0x267: {  	v3 =	vld [tilespmem:s12+$0xFFFFFFF0]  }
0x268: {  	v5 =	vld [tilespmem:s12+$0x20]  }
0x269: {  	v6 =	vld [tilespmem:s12+$0xFFFFFFD0]  }
0x26a: {  	v11 =	vmul.f32 v7, v4;
	v7 =	vld [tilespmem:s12+$0x0]  }
0x26b: {  	v9 =	vmul.f32 v8, v4  }
0x26c: {  	s15 =	simm.s32 $0x192C0;
	s13 =	simm.s32 $0x1;
	v8 =	vmul.f32 v12, v4;
	v10 =	vmul.f32 v10, v4  }
.LBB2_15:
0x26d: {  	p0 =	sne.s32 s13, $0x3F  }
0x26e: {  	v6 =	vmul.f32 v6, v4;
	v5 =	vmul.f32 v5, v4;
	[tilespmem:s12+$0x30] =	vst v11;
	s15 =	sadd.s32 $0x80, s15;
	s16 =	smov.u32 s13;
	s13 =	sadd.s32 $0x1, s13  }
0x26f: {  	[tilespmem:s12+$0xFFFFFFC0] =	vst v9;
	v9 =	vmul.f32 v3, v4;
	v4 =	vmul.f32 v7, v4  }
0x270: {  	[tilespmem:s12+$0x10] =	vst v10  }
0x271: {  	v7 =	vmov s16;
	[tilespmem:s12+$0xFFFFFFE0] =	vst v8  }
0x272: {  	v3 =	vld [tilespmem:s15+$0xFFFFFFF0];
	[tilespmem:s12+$0xFFFFFFF0] =	vst v9  }
0x273: {  	v8 =	vld [tilespmem:s15+$0x30];
	[tilespmem:s12+$0x0] =	vst v4  }
0x274: {  	v10 =	vld [tilespmem:s15+$0x10];
	[tilespmem:s12+$0x20] =	vst v5  }
0x275: {  	v9 =	vld [tilespmem:s15+$0xFFFFFFC0];
	[tilespmem:s12+$0xFFFFFFD0] =	vst v6;
	s12 =	smov.u32 s15  }
0x276: {  	v4 =	vld.idx.msk [tilespmem:v7+s26+$0x0], $0xffff  }
0x277: {  	v12 =	vld [tilespmem:s15+$0xFFFFFFE0]  }
0x278: {  	v5 =	vld [tilespmem:s15+$0x20]  }
.Ltmp6:
0x279: {  	v6 =	vld [tilespmem:s15+$0xFFFFFFD0];
	(pc) =	sbr.rel @p0 .LBB2_15-.Ltmp6, $3  }
0x27a: {  	v7 =	vld [tilespmem:s15+$0x0];
	_ =	sdelay $0x1  }
0x27b: {  	v9 =	vmul.f32 v9, v4;
	v11 =	vmul.f32 v8, v4  }
0x27c: {  	v10 =	vmul.f32 v10, v4;
	v8 =	vmul.f32 v12, v4  }
0x27d: {  	[tilespmem:s12+$0x30] =	vst v11  }
0x27e: {  	[tilespmem:s12+$0xFFFFFFC0] =	vst v9  }
0x27f: {  	v3 =	vmul.f32 v3, v4;
	[tilespmem:s12+$0x10] =	vst v10  }
0x280: {  	v5 =	vmul.f32 v5, v4;
	[tilespmem:s12+$0xFFFFFFE0] =	vst v8  }
0x281: {  	v7 =	vmul.f32 v7, v4;
	[tilespmem:s12+$0xFFFFFFF0] =	vst v3  }
0x282: {  	v3 =	vmul.f32 v6, v4;
	[tilespmem:s12+$0x20] =	vst v5  }
0x283: {  	[tilespmem:s12+$0x0] =	vst v7  }
0x284: {  	[tilespmem:s12+$0xFFFFFFD0] =	vst v3  }
0x285: {  	[spmem:s1] =	stream.indirect.scatter.add.f32 [tilespmem:s25], [sflag:$0x2], $0x80, s29, s30, $0xb8;
	[tilespmem:$0x1B380] =	vst v63  }
0x286: {  	s10 =	sadd.s32 $0x1, s10;
	_ =	swait.ge [sflag:s23], $0x2000  }
0x287: {  	p0 =	sne.s32 s10, $0x143;
	[sflag:s23] =	ssyncset.done $0x0  }
.Ltmp7:
0x288: {  	[sflag:s23] =	ssyncadd.s32 $0xFFFFE000;
	(pc) =	sbr.rel @p0 .LBB2_14-.Ltmp7, $4  }
0x289: {  	[spmem:s2] =	stream.indirect.scatter.add.f32 [tilespmem:s26], [sflag:$0x2], $0x1, s29, s30, $0xb8;
	[tilespmem:$0x1B380] =	vst v63  }
0x28a: {  	_ =	swait.ge [sflag:s23], $0x40  }
0x28b: {  	[sflag:s23] =	ssyncset.done $0x0  }
0x28c: {  	[sflag:s23] =	ssyncadd.s32 $0xFFFFFFC0  }
0x28d: {  	[bflag:$0x0] =	sbarrier.arrive $0xFFFF;
	s4 =	simm.s32 $0x0;
	s10 =	simm.s32 $0x0  }
.LBB2_18:
0x28e: {  	s12 =	sshll.u32 s10, $0x6  }
0x28f: {  	s12 =	sadd.s32 s7, s12  }
0x290: {  	s13 =	sshll.u32 s12, $0x7  }
0x291: {  	s13 =	sand.u32 $0x3FFFFF80, s13  }
0x292: {  	s13 =	sadd.s32 s13, s1  }
0x293: {  	[tilespmem:s25], [sflag:$0x2] =	stream.linear.gather [spmem:s13], $0x2000, $0x38;
	[tilespmem:$0x1B380] =	vst v63  }
0x294: {  	_ =	swait.ge [sflag:s23], $0x2000  }
0x295: {  	[sflag:s23] =	ssyncset.done $0x0  }
0x296: {  	v3 =	vmov s4;
	s16 =	sadd.s32 s12, s2;
	[sflag:s23] =	ssyncadd.s32 $0xFFFFE000  }
0x297: {  	[tilespmem:s26], [sflag:$0x2] =	stream.linear.gather [spmem:s16], $0x40, $0x38;
	[tilespmem:$0x1B380] =	vst v63  }
0x298: {  	_ =	swait.ge [sflag:s23], $0x40  }
0x299: {  	[sflag:s23] =	ssyncset.done $0x0  }
0x29a: {  	[sflag:s23] =	ssyncadd.s32 $0xFFFFFFC0  }
0x29b: {  	v3 =	vld.idx.msk [tilespmem:v3+s26+$0x0], $0xffff;
	_ =	sdelay $0x4  }
0x29c: {  	v3 =	vadd.f32 $1.000000020e-16, v3;
	_ =	sdelay $0x1  }
0x29d: {  	(erf) = vrcp.f32 v3;
	_ =	sdelay $0x3  }
0x29e: {  	s13 =	simm.s32 $0x192C0  }
0x29f: {  	v3 =	vld [tilespmem:s13+$0xFFFFFFC0];
	_ =	sdelay $0x1  }
0x2a0: {  	v4 =	vld [tilespmem:$0x1B300];
	_ =	sdelay $0x1  }
0x2a1: {  	v5 =	vpop (erf)  }
0x2a2: {  	v3 =	vmul.f32 v5, v3;
	_ =	sdelay $0x1  }
0x2a3: {  	v3 =	vadd.f32 v3, v4  }
0x2a4: {  	v4 =	vld [tilespmem:s13+$0xFFFFFFD0]  }
0x2a5: {  	[tilespmem:s13+$0xFFFFFFC0] =	vst v3  }
0x2a6: {  	v3 =	vld [tilespmem:$0x1B310];
	_ =	sdelay $0x2  }
0x2a7: {  	v4 =	vmul.f32 v4, v5;
	_ =	sdelay $0x1  }
0x2a8: {  	v3 =	vadd.f32 v3, v4  }
0x2a9: {  	v4 =	vld [tilespmem:s13+$0xFFFFFFE0]  }
0x2aa: {  	[tilespmem:s13+$0xFFFFFFD0] =	vst v3  }
0x2ab: {  	v3 =	vld [tilespmem:$0x1B320];
	_ =	sdelay $0x2  }
0x2ac: {  	v4 =	vmul.f32 v4, v5;
	_ =	sdelay $0x1  }
0x2ad: {  	v3 =	vadd.f32 v3, v4  }
0x2ae: {  	v4 =	vld [tilespmem:s13+$0xFFFFFFF0]  }
0x2af: {  	[tilespmem:s13+$0xFFFFFFE0] =	vst v3  }
0x2b0: {  	v3 =	vld [tilespmem:$0x1B330];
	_ =	sdelay $0x2  }
0x2b1: {  	v4 =	vmul.f32 v4, v5;
	_ =	sdelay $0x1  }
0x2b2: {  	v3 =	vadd.f32 v3, v4  }
0x2b3: {  	v4 =	vld [tilespmem:s13+$0x0]  }
0x2b4: {  	[tilespmem:s13+$0xFFFFFFF0] =	vst v3  }
0x2b5: {  	v3 =	vld [tilespmem:$0x1B340];
	_ =	sdelay $0x2  }
0x2b6: {  	v4 =	vmul.f32 v4, v5;
	_ =	sdelay $0x1  }
0x2b7: {  	v3 =	vadd.f32 v3, v4  }
0x2b8: {  	v4 =	vld [tilespmem:s13+$0x10]  }
0x2b9: {  	[tilespmem:s13+$0x0] =	vst v3  }
0x2ba: {  	v3 =	vld [tilespmem:$0x1B350];
	_ =	sdelay $0x2  }
0x2bb: {  	v4 =	vmul.f32 v4, v5;
	_ =	sdelay $0x1  }
0x2bc: {  	v3 =	vadd.f32 v3, v4  }
0x2bd: {  	v4 =	vld [tilespmem:s13+$0x20]  }
0x2be: {  	[tilespmem:s13+$0x10] =	vst v3  }
0x2bf: {  	v3 =	vld [tilespmem:$0x1B360];
	_ =	sdelay $0x2  }
0x2c0: {  	v4 =	vmul.f32 v4, v5;
	_ =	sdelay $0x1  }
0x2c1: {  	v3 =	vadd.f32 v3, v4  }
0x2c2: {  	v4 =	vld [tilespmem:s13+$0x30]  }
0x2c3: {  	[tilespmem:s13+$0x20] =	vst v3  }
0x2c4: {  	v6 =	vld [tilespmem:$0x1B370];
	_ =	sdelay $0x1  }
0x2c5: {  	s16 =	simm.s32 $0x1  }
0x2c6: {  	v3 =	vmov s16;
	v4 =	vmul.f32 v4, v5;
	_ =	sdelay $0x1  }
0x2c7: {  	s15 =	simm.s32 $0x2;
	v4 =	vadd.f32 v6, v4  }
.LBB2_19:
0x2c8: {  	p0 =	sne.s32 s15, $0x3F  }
0x2c9: {  	s16 =	smov.u32 s15;
	s15 =	sadd.s32 $0x1, s15;
	[tilespmem:s13+$0x30] =	vst v4;
	s13 =	sadd.s32 $0x80, s13  }
0x2ca: {  	v3 =	vld.idx.msk [tilespmem:v3+s26+$0x0], $0xffff;
	_ =	sdelay $0x5  }
0x2cb: {  	v3 =	vadd.f32 $1.000000020e-16, v3;
	_ =	sdelay $0x1  }
0x2cc: {  	(erf) = vrcp.f32 v3;
	_ =	sdelay $0x4  }
0x2cd: {  	v3 =	vld [tilespmem:s13+$0xFFFFFFC0];
	_ =	sdelay $0x1  }
0x2ce: {  	v4 =	vld [tilespmem:$0x1B300];
	_ =	sdelay $0x1  }
0x2cf: {  	v5 =	vpop (erf)  }
0x2d0: {  	v3 =	vmul.f32 v5, v3;
	_ =	sdelay $0x1  }
0x2d1: {  	v3 =	vadd.f32 v3, v4  }
0x2d2: {  	v4 =	vld [tilespmem:s13+$0xFFFFFFD0]  }
0x2d3: {  	[tilespmem:s13+$0xFFFFFFC0] =	vst v3  }
0x2d4: {  	v3 =	vld [tilespmem:$0x1B310];
	_ =	sdelay $0x2  }
0x2d5: {  	v4 =	vmul.f32 v4, v5;
	_ =	sdelay $0x1  }
0x2d6: {  	v3 =	vadd.f32 v3, v4  }
0x2d7: {  	v4 =	vld [tilespmem:s13+$0xFFFFFFE0]  }
0x2d8: {  	[tilespmem:s13+$0xFFFFFFD0] =	vst v3  }
0x2d9: {  	v3 =	vld [tilespmem:$0x1B320];
	_ =	sdelay $0x2  }
0x2da: {  	v4 =	vmul.f32 v4, v5;
	_ =	sdelay $0x1  }
0x2db: {  	v3 =	vadd.f32 v3, v4  }
0x2dc: {  	v4 =	vld [tilespmem:s13+$0xFFFFFFF0]  }
0x2dd: {  	[tilespmem:s13+$0xFFFFFFE0] =	vst v3  }
0x2de: {  	v3 =	vld [tilespmem:$0x1B330];
	_ =	sdelay $0x2  }
0x2df: {  	v4 =	vmul.f32 v4, v5;
	_ =	sdelay $0x1  }
0x2e0: {  	v3 =	vadd.f32 v3, v4  }
0x2e1: {  	v4 =	vld [tilespmem:s13+$0x0]  }
0x2e2: {  	[tilespmem:s13+$0xFFFFFFF0] =	vst v3  }
0x2e3: {  	v3 =	vld [tilespmem:$0x1B340];
	_ =	sdelay $0x2  }
0x2e4: {  	v4 =	vmul.f32 v4, v5;
	_ =	sdelay $0x1  }
0x2e5: {  	v3 =	vadd.f32 v3, v4  }
0x2e6: {  	v4 =	vld [tilespmem:s13+$0x10]  }
0x2e7: {  	[tilespmem:s13+$0x0] =	vst v3  }
0x2e8: {  	v3 =	vld [tilespmem:$0x1B350];
	_ =	sdelay $0x2  }
0x2e9: {  	v4 =	vmul.f32 v4, v5;
	_ =	sdelay $0x1  }
0x2ea: {  	v3 =	vadd.f32 v3, v4  }
0x2eb: {  	v4 =	vld [tilespmem:s13+$0x20]  }
0x2ec: {  	[tilespmem:s13+$0x10] =	vst v3  }
0x2ed: {  	v3 =	vld [tilespmem:$0x1B360];
	_ =	sdelay $0x2  }
0x2ee: {  	v4 =	vmul.f32 v4, v5;
	_ =	sdelay $0x1  }
0x2ef: {  	v3 =	vadd.f32 v3, v4  }
0x2f0: {  	v4 =	vld [tilespmem:s13+$0x30]  }
0x2f1: {  	[tilespmem:s13+$0x20] =	vst v3  }
0x2f2: {  	v6 =	vld [tilespmem:$0x1B370]  }
.Ltmp8:
0x2f3: {  	(pc) =	sbr.rel @p0 .LBB2_19-.Ltmp8, $3  }
0x2f4: {  	_ = 	snop  }
0x2f5: {  	v3 =	vmov s16;
	v4 =	vmul.f32 v4, v5;
	_ =	sdelay $0x1  }
0x2f6: {  	v4 =	vadd.f32 v6, v4  }
0x2f7: {  	_ =	sdelay $0x2  }
0x2f8: {  	[tilespmem:s13+$0x30] =	vst v4  }
0x2f9: {  	v3 =	vld.idx.msk [tilespmem:v3+s26+$0x0], $0xffff;
	_ =	sdelay $0x4  }
0x2fa: {  	v3 =	vadd.f32 $1.000000020e-16, v3;
	_ =	sdelay $0x1  }
0x2fb: {  	(erf) = vrcp.f32 v3;
	_ =	sdelay $0x3  }
0x2fc: {  	s16 =	sadd.s32 $0x80, s13  }
0x2fd: {  	v3 =	vld [tilespmem:s16+$0xFFFFFFC0];
	_ =	sdelay $0x1  }
0x2fe: {  	v4 =	vld [tilespmem:$0x1B300];
	_ =	sdelay $0x1  }
0x2ff: {  	v5 =	vpop (erf)  }
0x300: {  	v3 =	vmul.f32 v5, v3;
	_ =	sdelay $0x1  }
0x301: {  	v3 =	vadd.f32 v3, v4  }
0x302: {  	v57 =	vld [tilespmem:s16+$0xFFFFFFD0]  }
0x303: {  	[tilespmem:s16+$0xFFFFFFC0] =	vst v3  }
0x304: {  	v3 =	vld [tilespmem:$0x1B310];
	_ =	sdelay $0x2  }
0x305: {  	v4 =	vmul.f32 v57, v5;
	_ =	sdelay $0x1  }
0x306: {  	v3 =	vadd.f32 v3, v4  }
0x307: {  	v58 =	vld [tilespmem:s16+$0xFFFFFFE0]  }
0x308: {  	[tilespmem:s16+$0xFFFFFFD0] =	vst v3  }
0x309: {  	v3 =	vld [tilespmem:$0x1B320];
	_ =	sdelay $0x2  }
0x30a: {  	v4 =	vmul.f32 v58, v5;
	_ =	sdelay $0x1  }
0x30b: {  	v3 =	vadd.f32 v3, v4  }
0x30c: {  	v59 =	vld [tilespmem:s16+$0xFFFFFFF0]  }
0x30d: {  	[tilespmem:s16+$0xFFFFFFE0] =	vst v3  }
0x30e: {  	v3 =	vld [tilespmem:$0x1B330];
	_ =	sdelay $0x2  }
0x30f: {  	v4 =	vmul.f32 v59, v5;
	_ =	sdelay $0x1  }
0x310: {  	v3 =	vadd.f32 v3, v4  }
0x311: {  	v60 =	vld [tilespmem:s16+$0x0]  }
0x312: {  	[tilespmem:s16+$0xFFFFFFF0] =	vst v3  }
0x313: {  	v3 =	vld [tilespmem:$0x1B340];
	_ =	sdelay $0x2  }
0x314: {  	v4 =	vmul.f32 v60, v5;
	_ =	sdelay $0x1  }
0x315: {  	v3 =	vadd.f32 v3, v4  }
0x316: {  	v61 =	vld [tilespmem:s16+$0x10]  }
0x317: {  	[tilespmem:s16+$0x0] =	vst v3  }
0x318: {  	v3 =	vld [tilespmem:$0x1B350];
	_ =	sdelay $0x2  }
0x319: {  	v4 =	vmul.f32 v61, v5;
	_ =	sdelay $0x1  }
0x31a: {  	v3 =	vadd.f32 v3, v4  }
0x31b: {  	v62 =	vld [tilespmem:s16+$0x20]  }
0x31c: {  	[tilespmem:s16+$0x10] =	vst v3  }
0x31d: {  	v3 =	vld [tilespmem:$0x1B360];
	_ =	sdelay $0x2  }
0x31e: {  	v4 =	vmul.f32 v62, v5;
	_ =	sdelay $0x1  }
0x31f: {  	v3 =	vadd.f32 v3, v4  }
0x320: {  	v63 =	vld [tilespmem:s16+$0x30]  }
0x321: {  	[tilespmem:s16+$0x20] =	vst v3  }
0x322: {  	v3 =	vld [tilespmem:$0x1B370];
	_ =	sdelay $0x2  }
0x323: {  	v4 =	vmul.f32 v63, v5;
	_ =	sdelay $0x1  }
0x324: {  	s12 =	sadd.s32 s19, s12;
	s10 =	sadd.s32 $0x1, s10;
	v3 =	vadd.f32 v3, v4  }
0x325: {  	s12 =	sshll.u32 s12, $0x4;
	p0 =	sne.s32 s10, $0xA  }
.Ltmp9:
0x326: {  	s12 =	sadd.s32 s9, s12;
	[tilespmem:s16+$0x30] =	vst v3;
	(pc) =	sbr.rel @p0 .LBB2_18-.Ltmp9, $4  }
0x327: {  	[hbm4b:s12+s3] =	stream.linear.scatter [tilespmem:s25], [sflag:$0x2], $0x2000, $0x38;
	[tilespmem:$0x1B380] =	vst v63  }
0x328: {  	_ =	swait.ge [sflag:s23], $0x2000  }
0x329: {  	[sflag:s23] =	ssyncset.done $0x0  }
0x32a: {  	[sflag:s23] =	ssyncadd.s32 $0xFFFFE000  }
0x32b: {  	s0 =	sadd.s32 $0x1, s0;
	s4 =	rddreg [dreg:$0xc]  }
0x32c: {  	p0 =	sne.s32 s0, s4  }
.Ltmp10:
0x32d: {  	_ = 	snop;
	(pc) =	sbr.rel @p0 .LBB2_1-.Ltmp10, $2  }
0x32e: {  	_ =	sdelay $0x1  }
0x32f: {  	[bflag:$0x0] =	sbarrier.arrive $0xFFFF;
	_ =	sdelay $0x1  }
0x330: {  	_ =	sfence.sel $0x180000  }
0x331: {  	[bflag:$0x0] =	sbarrier.arrive $0xFFFF  }
0x332: {  	_ =	strace $0x90000047  }
0x333: {  	s0 =	stileid.u32;
	[bflag:$0x2] =	sbarrier.arrive $0xFFFF  }
0x334: {  	p0 =	sne.s32 s0, $0x0;
	s0 =	rddreg [dreg:$0x5]  }
0x335: {  	s0 =	sadd.s32 @!p0 $0x100000, s0  }
0x336: {  	[sflag:s0] =	ssyncadd.tile.s32 @!p0 $0x1;
	_ =	shalt  }
.Lfunc_end2:
_tile_overlayer_lowered:
.L_overlay_start_2:
0x337: {  	(tag) =	ssettag $0x2  }
0x338: {  	s0 =	rddreg [dreg:$0x0];
	s2 =	stileid.u32  }
0x339: {  	s1 =	rddreg [dreg:$0x1];
	p0 =	sne.s32 s2, $0x0  }
0x33a: {  	s3 =	rddreg [dreg:$0x2];
	[bflag:$0x3] =	sbarrier.arrive $0xFFFF;
	s2 =	simm.s32 @!p0 $0x1C02  }
0x33b: {  	[timem:s3], [sflag:s2] =	dma.local @!p0 [hbm:s0], s1  }
0x33c: {  	s0 =	simm.s32 @!p0 $0x2  }
0x33d: {  	_ =	swait.ge @!p0 [sflag:s0], s1  }
0x33e: {  	s1 =	ssub.s32 @!p0 $0x0, s1;
	[sflag:s0] =	ssyncset.done @!p0 $0x0  }
0x33f: {  	[sflag:s0] =	ssyncadd.s32 @!p0 s1  }
0x340: {  	[bflag:$0x3] =	sbarrier.arrive $0xFFFF  }
0x341: {  	_ =	shalt  }

</sc_bundles>
